<compile_context>
chip_gen: v7x
topology: tpu7x:2x2x1
jax: 0.10.2.dev20260603
libtpu: 0.0.44.dev20260713+nightly
codegen_flags: <defaults>
</compile_context>

<pallas_src>
import functools

import jax
import jax.numpy as jnp
from jax import lax
from jax.experimental import pallas as pl
from jax.experimental.pallas import tpu as pltpu
from jax.experimental.pallas import tpu_sc as plsc

_D = 26
_K = 64


def _sc_gather(v3d, fi):
    mesh = plsc.ScalarSubcoreMesh(axis_name="c", num_cores=1)

    @functools.partial(
        pl.kernel,
        mesh=mesh,
        out_type=jax.ShapeDtypeStruct((_D, _K), jnp.float32),
        scratch_types=[
            pltpu.SMEM((_D,), jnp.int32),
            pltpu.SemaphoreType.DMA,
        ],
    )
    def k(table_hbm, fi_hbm, out_hbm, fi_s, sem):
        cid = lax.axis_index("c")

        @pl.when(cid == 0)
        def _():
            pltpu.sync_copy(fi_hbm, fi_s)
            copies = []
            for i in range(_D):
                copies.append(
                    pltpu.async_copy(
                        table_hbm.at[fi_s[i], i], out_hbm.at[i], sem))
            for c in copies:
                c.wait()

    return k(v3d, fi)


def _tc_body(xt_ref, vm_ref, wt_ref, b_ref, o_ref):
    xt = xt_ref[...]
    vm = vm_ref[...]
    s = lax.dot_general(vm, vm, (((1,), (1,)), ((), ())),
                        preferred_element_type=jnp.float32)
    ii = lax.broadcasted_iota(jnp.int32, (_D, _D), 0)
    jj = lax.broadcasted_iota(jnp.int32, (_D, _D), 1)
    m = jnp.where(jj > ii, s, jnp.float32(0.0))
    t = lax.dot_general(m, xt, (((1,), (0,)), ((), ())),
                        preferred_element_type=jnp.float32)
    u = (t + wt_ref[...]) * xt
    z = jnp.sum(u, axis=0, keepdims=True) + b_ref[0, 0]
    o_ref[...] = (1.0 / (1.0 + jnp.exp(-z)))[None]


def kernel(x, field_indices, W, b, v):
    batch = x.shape[0]
    vmat = _sc_gather(v, field_indices.astype(jnp.int32))

    nblk = 2
    bblk = batch // nblk
    out = pl.pallas_call(
        _tc_body,
        grid=(nblk,),
        in_specs=[
            pl.BlockSpec((_D, bblk), lambda i: (0, i)),
            pl.BlockSpec((_D, _K), lambda i: (0, 0)),
            pl.BlockSpec((_D, 1), lambda i: (0, 0)),
            pl.BlockSpec((1, 1), lambda i: (0, 0)),
        ],
        out_specs=pl.BlockSpec((1, 1, bblk), lambda i: (i, 0, 0)),
        out_shape=jax.ShapeDtypeStruct((nblk, 1, bblk), jnp.float32),
    )(x.T, vmat, W.reshape(_D, 1), b.reshape(1, 1))
    return out.reshape(batch, 1)

# --- scband reference (transcript-rebuilt; emitter-appended) ---
"""Pipeline reference for scband-field-aware-factorization-machine-model-48945447305506 (READ-ONLY COPY).

The authoritative reference and input builder live on the scoring server;
editing this copy changes nothing except your own understanding.
"""

import jax, jax.numpy as jnp
import numpy as np

NUM_FIELDS = 26
INPUT_DIM = 26
K = 64
BATCH = 16384


def setup_inputs(seed: int = 0) -> dict:
    key = jax.random.key(seed)
    k1, k2, k3, k4 = jax.random.split(key, 4)
    x = jax.random.normal(k1, (BATCH, INPUT_DIM), dtype=jnp.float32)
    field_indices = jax.random.randint(k2, (INPUT_DIM,), 0, NUM_FIELDS)
    # nn.Linear(input_dim, 1): weight [1, input_dim], bias [1]
    W = jax.random.normal(k3, (1, INPUT_DIM), dtype=jnp.float32) * 0.05
    b = jnp.zeros((1,), dtype=jnp.float32)
    # self.v = Parameter(randn(num_fields, input_dim, k) * 0.01)
    v = jax.random.normal(k4, (NUM_FIELDS, INPUT_DIM, K), dtype=jnp.float32) * 0.01
    return {"x": x, "field_indices": field_indices, "W": W, "b": b, "v": v}


def reference(x, field_indices, W, b, v):
    # linear part: nn.Linear -> x @ W.T + b
    linear_part = x @ W.T + b  # [B, 1]
    D = x.shape[1]
    # gather per-feature field-aware factor vectors: vi = v[field_indices[i], i] -> [D, K]
    vmat = v[field_indices, jnp.arange(D)]
    # pairwise scalar interactions sum(vi * vj) for all i, j
    S = vmat @ vmat.T  # [D, D]
    # only i < j pairs contribute (upper triangle, excluding diagonal)
    mask = jnp.triu(jnp.ones((D, D), dtype=x.dtype), k=1)
    M = S * mask
    # interaction_part[b] = sum_{i<j} sum(vi*vj) * x[b,i] * x[b,j]
    interaction_part = jnp.einsum('bi,ij,bj->b', x, M, x)[:, None]  # [B, 1]
    return jax.nn.sigmoid(linear_part + interaction_part)

if __name__ == "__main__":
    import jax
    _d = setup_inputs()
    print(jax.jit(kernel)(*tuple(_d.values())))

</pallas_src>

<mosaic_0001>
#map = affine_map<(d0) -> (0, 0, 0)>
#map1 = affine_map<(d0) -> (0)>
#map2 = affine_map<(d0) -> (0, 0)>
module attributes {stable_mosaic.version = 14 : i64} {
  func.func @k(%arg0: i32, %arg1: memref<26x26x64xf32, #tpu.memory_space<hbm>>, %arg2: memref<26xi32, #tpu.memory_space<hbm>>, %arg3: memref<26x64xf32, #tpu.memory_space<hbm>>, %arg4: memref<26xi32, #tpu.memory_space<smem>>, %arg5: memref<!tpu.dma_semaphore, #tpu.memory_space<semaphore_mem>>) attributes {dimension_semantics = [#tpu.dimension_semantics<core_parallel>], iteration_bounds = array<i64: 1>, scalar_prefetch = 0 : i64, scratch_operands = 2 : i64, tpu.core_type = #tpu.core_type<sc_scalar_subcore>, window_params = [{transform_indices = #map}, {transform_indices = #map1}, {transform_indices = #map2}]} {
    %eq3A = arith.constant 0 : i32
    %eq3A_0 = arith.cmpi eq, %arg0, %eq3A : i32
    %convert_element_type3A = arith.extui %eq3A_0 : i1 to i32
    %cond3A = arith.constant 0 : i32
    %cond3A_1 = arith.cmpi ne, %convert_element_type3A, %cond3A : i32
    scf.if %cond3A_1 {
      "tpu.region"() ({
        %run_scoped3A = tpu.sem_alloc : memref<!tpu.dma_semaphore, #tpu.memory_space<semaphore_mem>>
        tpu.enqueue_dma source(%arg2 : memref<26xi32, #tpu.memory_space<hbm>>) target(%arg4 : memref<26xi32, #tpu.memory_space<smem>>) target_semaphore(%run_scoped3A : memref<!tpu.dma_semaphore, #tpu.memory_space<semaphore_mem>>)
        tpu.wait_dma2 semaphore(%run_scoped3A : memref<!tpu.dma_semaphore, #tpu.memory_space<semaphore_mem>>) src(%arg2 : memref<26xi32, #tpu.memory_space<hbm>>) dst(%arg4 : memref<26xi32, #tpu.memory_space<smem>>)
        tpu.yield
      }) : () -> ()
      %get3A = arith.constant 0 : i32
      %get3A_2 = arith.index_cast %get3A : i32 to index
      %get3A_3 = memref.load %arg4[%get3A_2] : memref<26xi32, #tpu.memory_space<smem>>
      %dma_start3A = arith.constant 0 : i32
      %dma_start3A_4 = arith.constant 0 : i32
      %dma_start3A_5 = arith.constant 0 : i32
      %dma_start3A_6 = tpu.memref_slice %arg3[%dma_start3A_4, %dma_start3A_5] : memref<26x64xf32, #tpu.memory_space<hbm>> -> memref<1x64xf32, #tpu.memory_space<hbm>>
      %dma_start3A_7 = tpu.memref_squeeze %dma_start3A_6 : memref<1x64xf32, #tpu.memory_space<hbm>> -> memref<64xf32, #tpu.memory_space<hbm>>
      %dma_start3A_8 = arith.constant 0 : i32
      %dma_start3A_9 = tpu.memref_slice %arg1[%get3A_3, %dma_start3A, %dma_start3A_8] : memref<26x26x64xf32, #tpu.memory_space<hbm>> -> memref<1x1x64xf32, #tpu.memory_space<hbm>>
      %dma_start3A_10 = tpu.memref_squeeze %dma_start3A_9 : memref<1x1x64xf32, #tpu.memory_space<hbm>> -> memref<64xf32, #tpu.memory_space<hbm>>
      tpu.enqueue_dma source(%dma_start3A_10 : memref<64xf32, #tpu.memory_space<hbm>>) target(%dma_start3A_7 : memref<64xf32, #tpu.memory_space<hbm>>) target_semaphore(%arg5 : memref<!tpu.dma_semaphore, #tpu.memory_space<semaphore_mem>>)
      %get3A_11 = arith.constant 1 : i32
      %get3A_12 = arith.index_cast %get3A_11 : i32 to index
      %get3A_13 = memref.load %arg4[%get3A_12] : memref<26xi32, #tpu.memory_space<smem>>
      %dma_start3A_14 = arith.constant 1 : i32
      %dma_start3A_15 = arith.constant 1 : i32
      %dma_start3A_16 = arith.constant 0 : i32
      %dma_start3A_17 = tpu.memref_slice %arg3[%dma_start3A_15, %dma_start3A_16] : memref<26x64xf32, #tpu.memory_space<hbm>> -> memref<1x64xf32, #tpu.memory_space<hbm>>
      %dma_start3A_18 = tpu.memref_squeeze %dma_start3A_17 : memref<1x64xf32, #tpu.memory_space<hbm>> -> memref<64xf32, #tpu.memory_space<hbm>>
      %dma_start3A_19 = arith.constant 0 : i32
      %dma_start3A_20 = tpu.memref_slice %arg1[%get3A_13, %dma_start3A_14, %dma_start3A_19] : memref<26x26x64xf32, #tpu.memory_space<hbm>> -> memref<1x1x64xf32, #tpu.memory_space<hbm>>
      %dma_start3A_21 = tpu.memref_squeeze %dma_start3A_20 : memref<1x1x64xf32, #tpu.memory_space<hbm>> -> memref<64xf32, #tpu.memory_space<hbm>>
      tpu.enqueue_dma source(%dma_start3A_21 : memref<64xf32, #tpu.memory_space<hbm>>) target(%dma_start3A_18 : memref<64xf32, #tpu.memory_space<hbm>>) target_semaphore(%arg5 : memref<!tpu.dma_semaphore, #tpu.memory_space<semaphore_mem>>)
      %get3A_22 = arith.constant 2 : i32
      %get3A_23 = arith.index_cast %get3A_22 : i32 to index
      %get3A_24 = memref.load %arg4[%get3A_23] : memref<26xi32, #tpu.memory_space<smem>>
      %dma_start3A_25 = arith.constant 2 : i32
      %dma_start3A_26 = arith.constant 2 : i32
      %dma_start3A_27 = arith.constant 0 : i32
      %dma_start3A_28 = tpu.memref_slice %arg3[%dma_start3A_26, %dma_start3A_27] : memref<26x64xf32, #tpu.memory_space<hbm>> -> memref<1x64xf32, #tpu.memory_space<hbm>>
      %dma_start3A_29 = tpu.memref_squeeze %dma_start3A_28 : memref<1x64xf32, #tpu.memory_space<hbm>> -> memref<64xf32, #tpu.memory_space<hbm>>
      %dma_start3A_30 = arith.constant 0 : i32
      %dma_start3A_31 = tpu.memref_slice %arg1[%get3A_24, %dma_start3A_25, %dma_start3A_30] : memref<26x26x64xf32, #tpu.memory_space<hbm>> -> memref<1x1x64xf32, #tpu.memory_space<hbm>>
      %dma_start3A_32 = tpu.memref_squeeze %dma_start3A_31 : memref<1x1x64xf32, #tpu.memory_space<hbm>> -> memref<64xf32, #tpu.memory_space<hbm>>
      tpu.enqueue_dma source(%dma_start3A_32 : memref<64xf32, #tpu.memory_space<hbm>>) target(%dma_start3A_29 : memref<64xf32, #tpu.memory_space<hbm>>) target_semaphore(%arg5 : memref<!tpu.dma_semaphore, #tpu.memory_space<semaphore_mem>>)
      %get3A_33 = arith.constant 3 : i32
      %get3A_34 = arith.index_cast %get3A_33 : i32 to index
      %get3A_35 = memref.load %arg4[%get3A_34] : memref<26xi32, #tpu.memory_space<smem>>
      %dma_start3A_36 = arith.constant 3 : i32
      %dma_start3A_37 = arith.constant 3 : i32
      %dma_start3A_38 = arith.constant 0 : i32
      %dma_start3A_39 = tpu.memref_slice %arg3[%dma_start3A_37, %dma_start3A_38] : memref<26x64xf32, #tpu.memory_space<hbm>> -> memref<1x64xf32, #tpu.memory_space<hbm>>
      %dma_start3A_40 = tpu.memref_squeeze %dma_start3A_39 : memref<1x64xf32, #tpu.memory_space<hbm>> -> memref<64xf32, #tpu.memory_space<hbm>>
      %dma_start3A_41 = arith.constant 0 : i32
      %dma_start3A_42 = tpu.memref_slice %arg1[%get3A_35, %dma_start3A_36, %dma_start3A_41] : memref<26x26x64xf32, #tpu.memory_space<hbm>> -> memref<1x1x64xf32, #tpu.memory_space<hbm>>
      %dma_start3A_43 = tpu.memref_squeeze %dma_start3A_42 : memref<1x1x64xf32, #tpu.memory_space<hbm>> -> memref<64xf32, #tpu.memory_space<hbm>>
      tpu.enqueue_dma source(%dma_start3A_43 : memref<64xf32, #tpu.memory_space<hbm>>) target(%dma_start3A_40 : memref<64xf32, #tpu.memory_space<hbm>>) target_semaphore(%arg5 : memref<!tpu.dma_semaphore, #tpu.memory_space<semaphore_mem>>)
      %get3A_44 = arith.constant 4 : i32
      %get3A_45 = arith.index_cast %get3A_44 : i32 to index
      %get3A_46 = memref.load %arg4[%get3A_45] : memref<26xi32, #tpu.memory_space<smem>>
      %dma_start3A_47 = arith.constant 4 : i32
      %dma_start3A_48 = arith.constant 4 : i32
      %dma_start3A_49 = arith.constant 0 : i32
      %dma_start3A_50 = tpu.memref_slice %arg3[%dma_start3A_48, %dma_start3A_49] : memref<26x64xf32, #tpu.memory_space<hbm>> -> memref<1x64xf32, #tpu.memory_space<hbm>>
      %dma_start3A_51 = tpu.memref_squeeze %dma_start3A_50 : memref<1x64xf32, #tpu.memory_space<hbm>> -> memref<64xf32, #tpu.memory_space<hbm>>
      %dma_start3A_52 = arith.constant 0 : i32
      %dma_start3A_53 = tpu.memref_slice %arg1[%get3A_46, %dma_start3A_47, %dma_start3A_52] : memref<26x26x64xf32, #tpu.memory_space<hbm>> -> memref<1x1x64xf32, #tpu.memory_space<hbm>>
      %dma_start3A_54 = tpu.memref_squeeze %dma_start3A_53 : memref<1x1x64xf32, #tpu.memory_space<hbm>> -> memref<64xf32, #tpu.memory_space<hbm>>
      tpu.enqueue_dma source(%dma_start3A_54 : memref<64xf32, #tpu.memory_space<hbm>>) target(%dma_start3A_51 : memref<64xf32, #tpu.memory_space<hbm>>) target_semaphore(%arg5 : memref<!tpu.dma_semaphore, #tpu.memory_space<semaphore_mem>>)
      %get3A_55 = arith.constant 5 : i32
      %get3A_56 = arith.index_cast %get3A_55 : i32 to index
      %get3A_57 = memref.load %arg4[%get3A_56] : memref<26xi32, #tpu.memory_space<smem>>
      %dma_start3A_58 = arith.constant 5 : i32
      %dma_start3A_59 = arith.constant 5 : i32
      %dma_start3A_60 = arith.constant 0 : i32
      %dma_start3A_61 = tpu.memref_slice %arg3[%dma_start3A_59, %dma_start3A_60] : memref<26x64xf32, #tpu.memory_space<hbm>> -> memref<1x64xf32, #tpu.memory_space<hbm>>
      %dma_start3A_62 = tpu.memref_squeeze %dma_start3A_61 : memref<1x64xf32, #tpu.memory_space<hbm>> -> memref<64xf32, #tpu.memory_space<hbm>>
      %dma_start3A_63 = arith.constant 0 : i32
      %dma_start3A_64 = tpu.memref_slice %arg1[%get3A_57, %dma_start3A_58, %dma_start3A_63] : memref<26x26x64xf32, #tpu.memory_space<hbm>> -> memref<1x1x64xf32, #tpu.memory_space<hbm>>
      %dma_start3A_65 = tpu.memref_squeeze %dma_start3A_64 : memref<1x1x64xf32, #tpu.memory_space<hbm>> -> memref<64xf32, #tpu.memory_space<hbm>>
      tpu.enqueue_dma source(%dma_start3A_65 : memref<64xf32, #tpu.memory_space<hbm>>) target(%dma_start3A_62 : memref<64xf32, #tpu.memory_space<hbm>>) target_semaphore(%arg5 : memref<!tpu.dma_semaphore, #tpu.memory_space<semaphore_mem>>)
      %get3A_66 = arith.constant 6 : i32
      %get3A_67 = arith.index_cast %get3A_66 : i32 to index
      %get3A_68 = memref.load %arg4[%get3A_67] : memref<26xi32, #tpu.memory_space<smem>>
      %dma_start3A_69 = arith.constant 6 : i32
      %dma_start3A_70 = arith.constant 6 : i32
      %dma_start3A_71 = arith.constant 0 : i32
      %dma_start3A_72 = tpu.memref_slice %arg3[%dma_start3A_70, %dma_start3A_71] : memref<26x64xf32, #tpu.memory_space<hbm>> -> memref<1x64xf32, #tpu.memory_space<hbm>>
      %dma_start3A_73 = tpu.memref_squeeze %dma_start3A_72 : memref<1x64xf32, #tpu.memory_space<hbm>> -> memref<64xf32, #tpu.memory_space<hbm>>
      %dma_start3A_74 = arith.constant 0 : i32
      %dma_start3A_75 = tpu.memref_slice %arg1[%get3A_68, %dma_start3A_69, %dma_start3A_74] : memref<26x26x64xf32, #tpu.memory_space<hbm>> -> memref<1x1x64xf32, #tpu.memory_space<hbm>>
      %dma_start3A_76 = tpu.memref_squeeze %dma_start3A_75 : memref<1x1x64xf32, #tpu.memory_space<hbm>> -> memref<64xf32, #tpu.memory_space<hbm>>
      tpu.enqueue_dma source(%dma_start3A_76 : memref<64xf32, #tpu.memory_space<hbm>>) target(%dma_start3A_73 : memref<64xf32, #tpu.memory_space<hbm>>) target_semaphore(%arg5 : memref<!tpu.dma_semaphore, #tpu.memory_space<semaphore_mem>>)
      %get3A_77 = arith.constant 7 : i32
      %get3A_78 = arith.index_cast %get3A_77 : i32 to index
      %get3A_79 = memref.load %arg4[%get3A_78] : memref<26xi32, #tpu.memory_space<smem>>
      %dma_start3A_80 = arith.constant 7 : i32
      %dma_start3A_81 = arith.constant 7 : i32
      %dma_start3A_82 = arith.constant 0 : i32
      %dma_start3A_83 = tpu.memref_slice %arg3[%dma_start3A_81, %dma_start3A_82] : memref<26x64xf32, #tpu.memory_space<hbm>> -> memref<1x64xf32, #tpu.memory_space<hbm>>
      %dma_start3A_84 = tpu.memref_squeeze %dma_start3A_83 : memref<1x64xf32, #tpu.memory_space<hbm>> -> memref<64xf32, #tpu.memory_space<hbm>>
      %dma_start3A_85 = arith.constant 0 : i32
      %dma_start3A_86 = tpu.memref_slice %arg1[%get3A_79, %dma_start3A_80, %dma_start3A_85] : memref<26x26x64xf32, #tpu.memory_space<hbm>> -> memref<1x1x64xf32, #tpu.memory_space<hbm>>
      %dma_start3A_87 = tpu.memref_squeeze %dma_start3A_86 : memref<1x1x64xf32, #tpu.memory_space<hbm>> -> memref<64xf32, #tpu.memory_space<hbm>>
      tpu.enqueue_dma source(%dma_start3A_87 : memref<64xf32, #tpu.memory_space<hbm>>) target(%dma_start3A_84 : memref<64xf32, #tpu.memory_space<hbm>>) target_semaphore(%arg5 : memref<!tpu.dma_semaphore, #tpu.memory_space<semaphore_mem>>)
      %get3A_88 = arith.constant 8 : i32
      %get3A_89 = arith.index_cast %get3A_88 : i32 to index
      %get3A_90 = memref.load %arg4[%get3A_89] : memref<26xi32, #tpu.memory_space<smem>>
      %dma_start3A_91 = arith.constant 8 : i32
      %dma_start3A_92 = arith.constant 8 : i32
      %dma_start3A_93 = arith.constant 0 : i32
      %dma_start3A_94 = tpu.memref_slice %arg3[%dma_start3A_92, %dma_start3A_93] : memref<26x64xf32, #tpu.memory_space<hbm>> -> memref<1x64xf32, #tpu.memory_space<hbm>>
      %dma_start3A_95 = tpu.memref_squeeze %dma_start3A_94 : memref<1x64xf32, #tpu.memory_space<hbm>> -> memref<64xf32, #tpu.memory_space<hbm>>
      %dma_start3A_96 = arith.constant 0 : i32
      %dma_start3A_97 = tpu.memref_slice %arg1[%get3A_90, %dma_start3A_91, %dma_start3A_96] : memref<26x26x64xf32, #tpu.memory_space<hbm>> -> memref<1x1x64xf32, #tpu.memory_space<hbm>>
      %dma_start3A_98 = tpu.memref_squeeze %dma_start3A_97 : memref<1x1x64xf32, #tpu.memory_space<hbm>> -> memref<64xf32, #tpu.memory_space<hbm>>
      tpu.enqueue_dma source(%dma_start3A_98 : memref<64xf32, #tpu.memory_space<hbm>>) target(%dma_start3A_95 : memref<64xf32, #tpu.memory_space<hbm>>) target_semaphore(%arg5 : memref<!tpu.dma_semaphore, #tpu.memory_space<semaphore_mem>>)
      %get3A_99 = arith.constant 9 : i32
      %get3A_100 = arith.index_cast %get3A_99 : i32 to index
      %get3A_101 = memref.load %arg4[%get3A_100] : memref<26xi32, #tpu.memory_space<smem>>
      %dma_start3A_102 = arith.constant 9 : i32
      %dma_start3A_103 = arith.constant 9 : i32
      %dma_start3A_104 = arith.constant 0 : i32
      %dma_start3A_105 = tpu.memref_slice %arg3[%dma_start3A_103, %dma_start3A_104] : memref<26x64xf32, #tpu.memory_space<hbm>> -> memref<1x64xf32, #tpu.memory_space<hbm>>
      %dma_start3A_106 = tpu.memref_squeeze %dma_start3A_105 : memref<1x64xf32, #tpu.memory_space<hbm>> -> memref<64xf32, #tpu.memory_space<hbm>>
      %dma_start3A_107 = arith.constant 0 : i32
      %dma_start3A_108 = tpu.memref_slice %arg1[%get3A_101, %dma_start3A_102, %dma_start3A_107] : memref<26x26x64xf32, #tpu.memory_space<hbm>> -> memref<1x1x64xf32, #tpu.memory_space<hbm>>
      %dma_start3A_109 = tpu.memref_squeeze %dma_start3A_108 : memref<1x1x64xf32, #tpu.memory_space<hbm>> -> memref<64xf32, #tpu.memory_space<hbm>>
      tpu.enqueue_dma source(%dma_start3A_109 : memref<64xf32, #tpu.memory_space<hbm>>) target(%dma_start3A_106 : memref<64xf32, #tpu.memory_space<hbm>>) target_semaphore(%arg5 : memref<!tpu.dma_semaphore, #tpu.memory_space<semaphore_mem>>)
      %get3A_110 = arith.constant 10 : i32
      %get3A_111 = arith.index_cast %get3A_110 : i32 to index
      %get3A_112 = memref.load %arg4[%get3A_111] : memref<26xi32, #tpu.memory_space<smem>>
      %dma_start3A_113 = arith.constant 10 : i32
      %dma_start3A_114 = arith.constant 10 : i32
      %dma_start3A_115 = arith.constant 0 : i32
      %dma_start3A_116 = tpu.memref_slice %arg3[%dma_start3A_114, %dma_start3A_115] : memref<26x64xf32, #tpu.memory_space<hbm>> -> memref<1x64xf32, #tpu.memory_space<hbm>>
      %dma_start3A_117 = tpu.memref_squeeze %dma_start3A_116 : memref<1x64xf32, #tpu.memory_space<hbm>> -> memref<64xf32, #tpu.memory_space<hbm>>
      %dma_start3A_118 = arith.constant 0 : i32
      %dma_start3A_119 = tpu.memref_slice %arg1[%get3A_112, %dma_start3A_113, %dma_start3A_118] : memref<26x26x64xf32, #tpu.memory_space<hbm>> -> memref<1x1x64xf32, #tpu.memory_space<hbm>>
      %dma_start3A_120 = tpu.memref_squeeze %dma_start3A_119 : memref<1x1x64xf32, #tpu.memory_space<hbm>> -> memref<64xf32, #tpu.memory_space<hbm>>
      tpu.enqueue_dma source(%dma_start3A_120 : memref<64xf32, #tpu.memory_space<hbm>>) target(%dma_start3A_117 : memref<64xf32, #tpu.memory_space<hbm>>) target_semaphore(%arg5 : memref<!tpu.dma_semaphore, #tpu.memory_space<semaphore_mem>>)
      %get3A_121 = arith.constant 11 : i32
      %get3A_122 = arith.index_cast %get3A_121 : i32 to index
      %get3A_123 = memref.load %arg4[%get3A_122] : memref<26xi32, #tpu.memory_space<smem>>
      %dma_start3A_124 = arith.constant 11 : i32
      %dma_start3A_125 = arith.constant 11 : i32
      %dma_start3A_126 = arith.constant 0 : i32
      %dma_start3A_127 = tpu.memref_slice %arg3[%dma_start3A_125, %dma_start3A_126] : memref<26x64xf32, #tpu.memory_space<hbm>> -> memref<1x64xf32, #tpu.memory_space<hbm>>
      %dma_start3A_128 = tpu.memref_squeeze %dma_start3A_127 : memref<1x64xf32, #tpu.memory_space<hbm>> -> memref<64xf32, #tpu.memory_space<hbm>>
      %dma_start3A_129 = arith.constant 0 : i32
      %dma_start3A_130 = tpu.memref_slice %arg1[%get3A_123, %dma_start3A_124, %dma_start3A_129] : memref<26x26x64xf32, #tpu.memory_space<hbm>> -> memref<1x1x64xf32, #tpu.memory_space<hbm>>
      %dma_start3A_131 = tpu.memref_squeeze %dma_start3A_130 : memref<1x1x64xf32, #tpu.memory_space<hbm>> -> memref<64xf32, #tpu.memory_space<hbm>>
      tpu.enqueue_dma source(%dma_start3A_131 : memref<64xf32, #tpu.memory_space<hbm>>) target(%dma_start3A_128 : memref<64xf32, #tpu.memory_space<hbm>>) target_semaphore(%arg5 : memref<!tpu.dma_semaphore, #tpu.memory_space<semaphore_mem>>)
      %get3A_132 = arith.constant 12 : i32
      %get3A_133 = arith.index_cast %get3A_132 : i32 to index
      %get3A_134 = memref.load %arg4[%get3A_133] : memref<26xi32, #tpu.memory_space<smem>>
      %dma_start3A_135 = arith.constant 12 : i32
      %dma_start3A_136 = arith.constant 12 : i32
      %dma_start3A_137 = arith.constant 0 : i32
      %dma_start3A_138 = tpu.memref_slice %arg3[%dma_start3A_136, %dma_start3A_137] : memref<26x64xf32, #tpu.memory_space<hbm>> -> memref<1x64xf32, #tpu.memory_space<hbm>>
      %dma_start3A_139 = tpu.memref_squeeze %dma_start3A_138 : memref<1x64xf32, #tpu.memory_space<hbm>> -> memref<64xf32, #tpu.memory_space<hbm>>
      %dma_start3A_140 = arith.constant 0 : i32
      %dma_start3A_141 = tpu.memref_slice %arg1[%get3A_134, %dma_start3A_135, %dma_start3A_140] : memref<26x26x64xf32, #tpu.memory_space<hbm>> -> memref<1x1x64xf32, #tpu.memory_space<hbm>>
      %dma_start3A_142 = tpu.memref_squeeze %dma_start3A_141 : memref<1x1x64xf32, #tpu.memory_space<hbm>> -> memref<64xf32, #tpu.memory_space<hbm>>
      tpu.enqueue_dma source(%dma_start3A_142 : memref<64xf32, #tpu.memory_space<hbm>>) target(%dma_start3A_139 : memref<64xf32, #tpu.memory_space<hbm>>) target_semaphore(%arg5 : memref<!tpu.dma_semaphore, #tpu.memory_space<semaphore_mem>>)
      %get3A_143 = arith.constant 13 : i32
      %get3A_144 = arith.index_cast %get3A_143 : i32 to index
      %get3A_145 = memref.load %arg4[%get3A_144] : memref<26xi32, #tpu.memory_space<smem>>
      %dma_start3A_146 = arith.constant 13 : i32
      %dma_start3A_147 = arith.constant 13 : i32
      %dma_start3A_148 = arith.constant 0 : i32
      %dma_start3A_149 = tpu.memref_slice %arg3[%dma_start3A_147, %dma_start3A_148] : memref<26x64xf32, #tpu.memory_space<hbm>> -> memref<1x64xf32, #tpu.memory_space<hbm>>
      %dma_start3A_150 = tpu.memref_squeeze %dma_start3A_149 : memref<1x64xf32, #tpu.memory_space<hbm>> -> memref<64xf32, #tpu.memory_space<hbm>>
      %dma_start3A_151 = arith.constant 0 : i32
      %dma_start3A_152 = tpu.memref_slice %arg1[%get3A_145, %dma_start3A_146, %dma_start3A_151] : memref<26x26x64xf32, #tpu.memory_space<hbm>> -> memref<1x1x64xf32, #tpu.memory_space<hbm>>
      %dma_start3A_153 = tpu.memref_squeeze %dma_start3A_152 : memref<1x1x64xf32, #tpu.memory_space<hbm>> -> memref<64xf32, #tpu.memory_space<hbm>>
      tpu.enqueue_dma source(%dma_start3A_153 : memref<64xf32, #tpu.memory_space<hbm>>) target(%dma_start3A_150 : memref<64xf32, #tpu.memory_space<hbm>>) target_semaphore(%arg5 : memref<!tpu.dma_semaphore, #tpu.memory_space<semaphore_mem>>)
      %get3A_154 = arith.constant 14 : i32
      %get3A_155 = arith.index_cast %get3A_154 : i32 to index
      %get3A_156 = memref.load %arg4[%get3A_155] : memref<26xi32, #tpu.memory_space<smem>>
      %dma_start3A_157 = arith.constant 14 : i32
      %dma_start3A_158 = arith.constant 14 : i32
      %dma_start3A_159 = arith.constant 0 : i32
      %dma_start3A_160 = tpu.memref_slice %arg3[%dma_start3A_158, %dma_start3A_159] : memref<26x64xf32, #tpu.memory_space<hbm>> -> memref<1x64xf32, #tpu.memory_space<hbm>>
      %dma_start3A_161 = tpu.memref_squeeze %dma_start3A_160 : memref<1x64xf32, #tpu.memory_space<hbm>> -> memref<64xf32, #tpu.memory_space<hbm>>
      %dma_start3A_162 = arith.constant 0 : i32
      %dma_start3A_163 = tpu.memref_slice %arg1[%get3A_156, %dma_start3A_157, %dma_start3A_162] : memref<26x26x64xf32, #tpu.memory_space<hbm>> -> memref<1x1x64xf32, #tpu.memory_space<hbm>>
      %dma_start3A_164 = tpu.memref_squeeze %dma_start3A_163 : memref<1x1x64xf32, #tpu.memory_space<hbm>> -> memref<64xf32, #tpu.memory_space<hbm>>
      tpu.enqueue_dma source(%dma_start3A_164 : memref<64xf32, #tpu.memory_space<hbm>>) target(%dma_start3A_161 : memref<64xf32, #tpu.memory_space<hbm>>) target_semaphore(%arg5 : memref<!tpu.dma_semaphore, #tpu.memory_space<semaphore_mem>>)
      %get3A_165 = arith.constant 15 : i32
      %get3A_166 = arith.index_cast %get3A_165 : i32 to index
      %get3A_167 = memref.load %arg4[%get3A_166] : memref<26xi32, #tpu.memory_space<smem>>
      %dma_start3A_168 = arith.constant 15 : i32
      %dma_start3A_169 = arith.constant 15 : i32
      %dma_start3A_170 = arith.constant 0 : i32
      %dma_start3A_171 = tpu.memref_slice %arg3[%dma_start3A_169, %dma_start3A_170] : memref<26x64xf32, #tpu.memory_space<hbm>> -> memref<1x64xf32, #tpu.memory_space<hbm>>
      %dma_start3A_172 = tpu.memref_squeeze %dma_start3A_171 : memref<1x64xf32, #tpu.memory_space<hbm>> -> memref<64xf32, #tpu.memory_space<hbm>>
      %dma_start3A_173 = arith.constant 0 : i32
      %dma_start3A_174 = tpu.memref_slice %arg1[%get3A_167, %dma_start3A_168, %dma_start3A_173] : memref<26x26x64xf32, #tpu.memory_space<hbm>> -> memref<1x1x64xf32, #tpu.memory_space<hbm>>
      %dma_start3A_175 = tpu.memref_squeeze %dma_start3A_174 : memref<1x1x64xf32, #tpu.memory_space<hbm>> -> memref<64xf32, #tpu.memory_space<hbm>>
      tpu.enqueue_dma source(%dma_start3A_175 : memref<64xf32, #tpu.memory_space<hbm>>) target(%dma_start3A_172 : memref<64xf32, #tpu.memory_space<hbm>>) target_semaphore(%arg5 : memref<!tpu.dma_semaphore, #tpu.memory_space<semaphore_mem>>)
      %get3A_176 = arith.constant 16 : i32
      %get3A_177 = arith.index_cast %get3A_176 : i32 to index
      %get3A_178 = memref.load %arg4[%get3A_177] : memref<26xi32, #tpu.memory_space<smem>>
      %dma_start3A_179 = arith.constant 16 : i32
      %dma_start3A_180 = arith.constant 16 : i32
      %dma_start3A_181 = arith.constant 0 : i32
      %dma_start3A_182 = tpu.memref_slice %arg3[%dma_start3A_180, %dma_start3A_181] : memref<26x64xf32, #tpu.memory_space<hbm>> -> memref<1x64xf32, #tpu.memory_space<hbm>>
      %dma_start3A_183 = tpu.memref_squeeze %dma_start3A_182 : memref<1x64xf32, #tpu.memory_space<hbm>> -> memref<64xf32, #tpu.memory_space<hbm>>
      %dma_start3A_184 = arith.constant 0 : i32
      %dma_start3A_185 = tpu.memref_slice %arg1[%get3A_178, %dma_start3A_179, %dma_start3A_184] : memref<26x26x64xf32, #tpu.memory_space<hbm>> -> memref<1x1x64xf32, #tpu.memory_space<hbm>>
      %dma_start3A_186 = tpu.memref_squeeze %dma_start3A_185 : memref<1x1x64xf32, #tpu.memory_space<hbm>> -> memref<64xf32, #tpu.memory_space<hbm>>
      tpu.enqueue_dma source(%dma_start3A_186 : memref<64xf32, #tpu.memory_space<hbm>>) target(%dma_start3A_183 : memref<64xf32, #tpu.memory_space<hbm>>) target_semaphore(%arg5 : memref<!tpu.dma_semaphore, #tpu.memory_space<semaphore_mem>>)
      %get3A_187 = arith.constant 17 : i32
      %get3A_188 = arith.index_cast %get3A_187 : i32 to index
      %get3A_189 = memref.load %arg4[%get3A_188] : memref<26xi32, #tpu.memory_space<smem>>
      %dma_start3A_190 = arith.constant 17 : i32
      %dma_start3A_191 = arith.constant 17 : i32
      %dma_start3A_192 = arith.constant 0 : i32
      %dma_start3A_193 = tpu.memref_slice %arg3[%dma_start3A_191, %dma_start3A_192] : memref<26x64xf32, #tpu.memory_space<hbm>> -> memref<1x64xf32, #tpu.memory_space<hbm>>
      %dma_start3A_194 = tpu.memref_squeeze %dma_start3A_193 : memref<1x64xf32, #tpu.memory_space<hbm>> -> memref<64xf32, #tpu.memory_space<hbm>>
      %dma_start3A_195 = arith.constant 0 : i32
      %dma_start3A_196 = tpu.memref_slice %arg1[%get3A_189, %dma_start3A_190, %dma_start3A_195] : memref<26x26x64xf32, #tpu.memory_space<hbm>> -> memref<1x1x64xf32, #tpu.memory_space<hbm>>
      %dma_start3A_197 = tpu.memref_squeeze %dma_start3A_196 : memref<1x1x64xf32, #tpu.memory_space<hbm>> -> memref<64xf32, #tpu.memory_space<hbm>>
      tpu.enqueue_dma source(%dma_start3A_197 : memref<64xf32, #tpu.memory_space<hbm>>) target(%dma_start3A_194 : memref<64xf32, #tpu.memory_space<hbm>>) target_semaphore(%arg5 : memref<!tpu.dma_semaphore, #tpu.memory_space<semaphore_mem>>)
      %get3A_198 = arith.constant 18 : i32
      %get3A_199 = arith.index_cast %get3A_198 : i32 to index
      %get3A_200 = memref.load %arg4[%get3A_199] : memref<26xi32, #tpu.memory_space<smem>>
      %dma_start3A_201 = arith.constant 18 : i32
      %dma_start3A_202 = arith.constant 18 : i32
      %dma_start3A_203 = arith.constant 0 : i32
      %dma_start3A_204 = tpu.memref_slice %arg3[%dma_start3A_202, %dma_start3A_203] : memref<26x64xf32, #tpu.memory_space<hbm>> -> memref<1x64xf32, #tpu.memory_space<hbm>>
      %dma_start3A_205 = tpu.memref_squeeze %dma_start3A_204 : memref<1x64xf32, #tpu.memory_space<hbm>> -> memref<64xf32, #tpu.memory_space<hbm>>
      %dma_start3A_206 = arith.constant 0 : i32
      %dma_start3A_207 = tpu.memref_slice %arg1[%get3A_200, %dma_start3A_201, %dma_start3A_206] : memref<26x26x64xf32, #tpu.memory_space<hbm>> -> memref<1x1x64xf32, #tpu.memory_space<hbm>>
      %dma_start3A_208 = tpu.memref_squeeze %dma_start3A_207 : memref<1x1x64xf32, #tpu.memory_space<hbm>> -> memref<64xf32, #tpu.memory_space<hbm>>
      tpu.enqueue_dma source(%dma_start3A_208 : memref<64xf32, #tpu.memory_space<hbm>>) target(%dma_start3A_205 : memref<64xf32, #tpu.memory_space<hbm>>) target_semaphore(%arg5 : memref<!tpu.dma_semaphore, #tpu.memory_space<semaphore_mem>>)
      %get3A_209 = arith.constant 19 : i32
      %get3A_210 = arith.index_cast %get3A_209 : i32 to index
      %get3A_211 = memref.load %arg4[%get3A_210] : memref<26xi32, #tpu.memory_space<smem>>
      %dma_start3A_212 = arith.constant 19 : i32
      %dma_start3A_213 = arith.constant 19 : i32
      %dma_start3A_214 = arith.constant 0 : i32
      %dma_start3A_215 = tpu.memref_slice %arg3[%dma_start3A_213, %dma_start3A_214] : memref<26x64xf32, #tpu.memory_space<hbm>> -> memref<1x64xf32, #tpu.memory_space<hbm>>
      %dma_start3A_216 = tpu.memref_squeeze %dma_start3A_215 : memref<1x64xf32, #tpu.memory_space<hbm>> -> memref<64xf32, #tpu.memory_space<hbm>>
      %dma_start3A_217 = arith.constant 0 : i32
      %dma_start3A_218 = tpu.memref_slice %arg1[%get3A_211, %dma_start3A_212, %dma_start3A_217] : memref<26x26x64xf32, #tpu.memory_space<hbm>> -> memref<1x1x64xf32, #tpu.memory_space<hbm>>
      %dma_start3A_219 = tpu.memref_squeeze %dma_start3A_218 : memref<1x1x64xf32, #tpu.memory_space<hbm>> -> memref<64xf32, #tpu.memory_space<hbm>>
      tpu.enqueue_dma source(%dma_start3A_219 : memref<64xf32, #tpu.memory_space<hbm>>) target(%dma_start3A_216 : memref<64xf32, #tpu.memory_space<hbm>>) target_semaphore(%arg5 : memref<!tpu.dma_semaphore, #tpu.memory_space<semaphore_mem>>)
      %get3A_220 = arith.constant 20 : i32
      %get3A_221 = arith.index_cast %get3A_220 : i32 to index
      %get3A_222 = memref.load %arg4[%get3A_221] : memref<26xi32, #tpu.memory_space<smem>>
      %dma_start3A_223 = arith.constant 20 : i32
      %dma_start3A_224 = arith.constant 20 : i32
      %dma_start3A_225 = arith.constant 0 : i32
      %dma_start3A_226 = tpu.memref_slice %arg3[%dma_start3A_224, %dma_start3A_225] : memref<26x64xf32, #tpu.memory_space<hbm>> -> memref<1x64xf32, #tpu.memory_space<hbm>>
      %dma_start3A_227 = tpu.memref_squeeze %dma_start3A_226 : memref<1x64xf32, #tpu.memory_space<hbm>> -> memref<64xf32, #tpu.memory_space<hbm>>
      %dma_start3A_228 = arith.constant 0 : i32
      %dma_start3A_229 = tpu.memref_slice %arg1[%get3A_222, %dma_start3A_223, %dma_start3A_228] : memref<26x26x64xf32, #tpu.memory_space<hbm>> -> memref<1x1x64xf32, #tpu.memory_space<hbm>>
      %dma_start3A_230 = tpu.memref_squeeze %dma_start3A_229 : memref<1x1x64xf32, #tpu.memory_space<hbm>> -> memref<64xf32, #tpu.memory_space<hbm>>
      tpu.enqueue_dma source(%dma_start3A_230 : memref<64xf32, #tpu.memory_space<hbm>>) target(%dma_start3A_227 : memref<64xf32, #tpu.memory_space<hbm>>) target_semaphore(%arg5 : memref<!tpu.dma_semaphore, #tpu.memory_space<semaphore_mem>>)
      %get3A_231 = arith.constant 21 : i32
      %get3A_232 = arith.index_cast %get3A_231 : i32 to index
      %get3A_233 = memref.load %arg4[%get3A_232] : memref<26xi32, #tpu.memory_space<smem>>
      %dma_start3A_234 = arith.constant 21 : i32
      %dma_start3A_235 = arith.constant 21 : i32
      %dma_start3A_236 = arith.constant 0 : i32
      %dma_start3A_237 = tpu.memref_slice %arg3[%dma_start3A_235, %dma_start3A_236] : memref<26x64xf32, #tpu.memory_space<hbm>> -> memref<1x64xf32, #tpu.memory_space<hbm>>
      %dma_start3A_238 = tpu.memref_squeeze %dma_start3A_237 : memref<1x64xf32, #tpu.memory_space<hbm>> -> memref<64xf32, #tpu.memory_space<hbm>>
      %dma_start3A_239 = arith.constant 0 : i32
      %dma_start3A_240 = tpu.memref_slice %arg1[%get3A_233, %dma_start3A_234, %dma_start3A_239] : memref<26x26x64xf32, #tpu.memory_space<hbm>> -> memref<1x1x64xf32, #tpu.memory_space<hbm>>
      %dma_start3A_241 = tpu.memref_squeeze %dma_start3A_240 : memref<1x1x64xf32, #tpu.memory_space<hbm>> -> memref<64xf32, #tpu.memory_space<hbm>>
      tpu.enqueue_dma source(%dma_start3A_241 : memref<64xf32, #tpu.memory_space<hbm>>) target(%dma_start3A_238 : memref<64xf32, #tpu.memory_space<hbm>>) target_semaphore(%arg5 : memref<!tpu.dma_semaphore, #tpu.memory_space<semaphore_mem>>)
      %get3A_242 = arith.constant 22 : i32
      %get3A_243 = arith.index_cast %get3A_242 : i32 to index
      %get3A_244 = memref.load %arg4[%get3A_243] : memref<26xi32, #tpu.memory_space<smem>>
      %dma_start3A_245 = arith.constant 22 : i32
      %dma_start3A_246 = arith.constant 22 : i32
      %dma_start3A_247 = arith.constant 0 : i32
      %dma_start3A_248 = tpu.memref_slice %arg3[%dma_start3A_246, %dma_start3A_247] : memref<26x64xf32, #tpu.memory_space<hbm>> -> memref<1x64xf32, #tpu.memory_space<hbm>>
      %dma_start3A_249 = tpu.memref_squeeze %dma_start3A_248 : memref<1x64xf32, #tpu.memory_space<hbm>> -> memref<64xf32, #tpu.memory_space<hbm>>
      %dma_start3A_250 = arith.constant 0 : i32
      %dma_start3A_251 = tpu.memref_slice %arg1[%get3A_244, %dma_start3A_245, %dma_start3A_250] : memref<26x26x64xf32, #tpu.memory_space<hbm>> -> memref<1x1x64xf32, #tpu.memory_space<hbm>>
      %dma_start3A_252 = tpu.memref_squeeze %dma_start3A_251 : memref<1x1x64xf32, #tpu.memory_space<hbm>> -> memref<64xf32, #tpu.memory_space<hbm>>
      tpu.enqueue_dma source(%dma_start3A_252 : memref<64xf32, #tpu.memory_space<hbm>>) target(%dma_start3A_249 : memref<64xf32, #tpu.memory_space<hbm>>) target_semaphore(%arg5 : memref<!tpu.dma_semaphore, #tpu.memory_space<semaphore_mem>>)
      %get3A_253 = arith.constant 23 : i32
      %get3A_254 = arith.index_cast %get3A_253 : i32 to index
      %get3A_255 = memref.load %arg4[%get3A_254] : memref<26xi32, #tpu.memory_space<smem>>
      %dma_start3A_256 = arith.constant 23 : i32
      %dma_start3A_257 = arith.constant 23 : i32
      %dma_start3A_258 = arith.constant 0 : i32
      %dma_start3A_259 = tpu.memref_slice %arg3[%dma_start3A_257, %dma_start3A_258] : memref<26x64xf32, #tpu.memory_space<hbm>> -> memref<1x64xf32, #tpu.memory_space<hbm>>
      %dma_start3A_260 = tpu.memref_squeeze %dma_start3A_259 : memref<1x64xf32, #tpu.memory_space<hbm>> -> memref<64xf32, #tpu.memory_space<hbm>>
      %dma_start3A_261 = arith.constant 0 : i32
      %dma_start3A_262 = tpu.memref_slice %arg1[%get3A_255, %dma_start3A_256, %dma_start3A_261] : memref<26x26x64xf32, #tpu.memory_space<hbm>> -> memref<1x1x64xf32, #tpu.memory_space<hbm>>
      %dma_start3A_263 = tpu.memref_squeeze %dma_start3A_262 : memref<1x1x64xf32, #tpu.memory_space<hbm>> -> memref<64xf32, #tpu.memory_space<hbm>>
      tpu.enqueue_dma source(%dma_start3A_263 : memref<64xf32, #tpu.memory_space<hbm>>) target(%dma_start3A_260 : memref<64xf32, #tpu.memory_space<hbm>>) target_semaphore(%arg5 : memref<!tpu.dma_semaphore, #tpu.memory_space<semaphore_mem>>)
      %get3A_264 = arith.constant 24 : i32
      %get3A_265 = arith.index_cast %get3A_264 : i32 to index
      %get3A_266 = memref.load %arg4[%get3A_265] : memref<26xi32, #tpu.memory_space<smem>>
      %dma_start3A_267 = arith.constant 24 : i32
      %dma_start3A_268 = arith.constant 24 : i32
      %dma_start3A_269 = arith.constant 0 : i32
      %dma_start3A_270 = tpu.memref_slice %arg3[%dma_start3A_268, %dma_start3A_269] : memref<26x64xf32, #tpu.memory_space<hbm>> -> memref<1x64xf32, #tpu.memory_space<hbm>>
      %dma_start3A_271 = tpu.memref_squeeze %dma_start3A_270 : memref<1x64xf32, #tpu.memory_space<hbm>> -> memref<64xf32, #tpu.memory_space<hbm>>
      %dma_start3A_272 = arith.constant 0 : i32
      %dma_start3A_273 = tpu.memref_slice %arg1[%get3A_266, %dma_start3A_267, %dma_start3A_272] : memref<26x26x64xf32, #tpu.memory_space<hbm>> -> memref<1x1x64xf32, #tpu.memory_space<hbm>>
      %dma_start3A_274 = tpu.memref_squeeze %dma_start3A_273 : memref<1x1x64xf32, #tpu.memory_space<hbm>> -> memref<64xf32, #tpu.memory_space<hbm>>
      tpu.enqueue_dma source(%dma_start3A_274 : memref<64xf32, #tpu.memory_space<hbm>>) target(%dma_start3A_271 : memref<64xf32, #tpu.memory_space<hbm>>) target_semaphore(%arg5 : memref<!tpu.dma_semaphore, #tpu.memory_space<semaphore_mem>>)
      %get3A_275 = arith.constant 25 : i32
      %get3A_276 = arith.index_cast %get3A_275 : i32 to index
      %get3A_277 = memref.load %arg4[%get3A_276] : memref<26xi32, #tpu.memory_space<smem>>
      %dma_start3A_278 = arith.constant 25 : i32
      %dma_start3A_279 = arith.constant 25 : i32
      %dma_start3A_280 = arith.constant 0 : i32
      %dma_start3A_281 = tpu.memref_slice %arg3[%dma_start3A_279, %dma_start3A_280] : memref<26x64xf32, #tpu.memory_space<hbm>> -> memref<1x64xf32, #tpu.memory_space<hbm>>
      %dma_start3A_282 = tpu.memref_squeeze %dma_start3A_281 : memref<1x64xf32, #tpu.memory_space<hbm>> -> memref<64xf32, #tpu.memory_space<hbm>>
      %dma_start3A_283 = arith.constant 0 : i32
      %dma_start3A_284 = tpu.memref_slice %arg1[%get3A_277, %dma_start3A_278, %dma_start3A_283] : memref<26x26x64xf32, #tpu.memory_space<hbm>> -> memref<1x1x64xf32, #tpu.memory_space<hbm>>
      %dma_start3A_285 = tpu.memref_squeeze %dma_start3A_284 : memref<1x1x64xf32, #tpu.memory_space<hbm>> -> memref<64xf32, #tpu.memory_space<hbm>>
      tpu.enqueue_dma source(%dma_start3A_285 : memref<64xf32, #tpu.memory_space<hbm>>) target(%dma_start3A_282 : memref<64xf32, #tpu.memory_space<hbm>>) target_semaphore(%arg5 : memref<!tpu.dma_semaphore, #tpu.memory_space<semaphore_mem>>)
      %dma_wait3A = arith.constant 0 : i32
      %dma_wait3A_286 = arith.constant 0 : i32
      %dma_wait3A_287 = arith.constant 0 : i32
      %dma_wait3A_288 = tpu.memref_slice %arg3[%dma_wait3A_286, %dma_wait3A_287] : memref<26x64xf32, #tpu.memory_space<hbm>> -> memref<1x64xf32, #tpu.memory_space<hbm>>
      %dma_wait3A_289 = tpu.memref_squeeze %dma_wait3A_288 : memref<1x64xf32, #tpu.memory_space<hbm>> -> memref<64xf32, #tpu.memory_space<hbm>>
      %dma_wait3A_290 = arith.constant 0 : i32
      %dma_wait3A_291 = tpu.memref_slice %arg1[%get3A_3, %dma_wait3A, %dma_wait3A_290] : memref<26x26x64xf32, #tpu.memory_space<hbm>> -> memref<1x1x64xf32, #tpu.memory_space<hbm>>
      %dma_wait3A_292 = tpu.memref_squeeze %dma_wait3A_291 : memref<1x1x64xf32, #tpu.memory_space<hbm>> -> memref<64xf32, #tpu.memory_space<hbm>>
      tpu.wait_dma2 semaphore(%arg5 : memref<!tpu.dma_semaphore, #tpu.memory_space<semaphore_mem>>) src(%dma_wait3A_292 : memref<64xf32, #tpu.memory_space<hbm>>) dst(%dma_wait3A_289 : memref<64xf32, #tpu.memory_space<hbm>>)
      %dma_wait3A_293 = arith.constant 1 : i32
      %dma_wait3A_294 = arith.constant 1 : i32
      %dma_wait3A_295 = arith.constant 0 : i32
      %dma_wait3A_296 = tpu.memref_slice %arg3[%dma_wait3A_294, %dma_wait3A_295] : memref<26x64xf32, #tpu.memory_space<hbm>> -> memref<1x64xf32, #tpu.memory_space<hbm>>
      %dma_wait3A_297 = tpu.memref_squeeze %dma_wait3A_296 : memref<1x64xf32, #tpu.memory_space<hbm>> -> memref<64xf32, #tpu.memory_space<hbm>>
      %dma_wait3A_298 = arith.constant 0 : i32
      %dma_wait3A_299 = tpu.memref_slice %arg1[%get3A_13, %dma_wait3A_293, %dma_wait3A_298] : memref<26x26x64xf32, #tpu.memory_space<hbm>> -> memref<1x1x64xf32, #tpu.memory_space<hbm>>
      %dma_wait3A_300 = tpu.memref_squeeze %dma_wait3A_299 : memref<1x1x64xf32, #tpu.memory_space<hbm>> -> memref<64xf32, #tpu.memory_space<hbm>>
      tpu.wait_dma2 semaphore(%arg5 : memref<!tpu.dma_semaphore, #tpu.memory_space<semaphore_mem>>) src(%dma_wait3A_300 : memref<64xf32, #tpu.memory_space<hbm>>) dst(%dma_wait3A_297 : memref<64xf32, #tpu.memory_space<hbm>>)
      %dma_wait3A_301 = arith.constant 2 : i32
      %dma_wait3A_302 = arith.constant 2 : i32
      %dma_wait3A_303 = arith.constant 0 : i32
      %dma_wait3A_304 = tpu.memref_slice %arg3[%dma_wait3A_302, %dma_wait3A_303] : memref<26x64xf32, #tpu.memory_space<hbm>> -> memref<1x64xf32, #tpu.memory_space<hbm>>
      %dma_wait3A_305 = tpu.memref_squeeze %dma_wait3A_304 : memref<1x64xf32, #tpu.memory_space<hbm>> -> memref<64xf32, #tpu.memory_space<hbm>>
      %dma_wait3A_306 = arith.constant 0 : i32
      %dma_wait3A_307 = tpu.memref_slice %arg1[%get3A_24, %dma_wait3A_301, %dma_wait3A_306] : memref<26x26x64xf32, #tpu.memory_space<hbm>> -> memref<1x1x64xf32, #tpu.memory_space<hbm>>
      %dma_wait3A_308 = tpu.memref_squeeze %dma_wait3A_307 : memref<1x1x64xf32, #tpu.memory_space<hbm>> -> memref<64xf32, #tpu.memory_space<hbm>>
      tpu.wait_dma2 semaphore(%arg5 : memref<!tpu.dma_semaphore, #tpu.memory_space<semaphore_mem>>) src(%dma_wait3A_308 : memref<64xf32, #tpu.memory_space<hbm>>) dst(%dma_wait3A_305 : memref<64xf32, #tpu.memory_space<hbm>>)
      %dma_wait3A_309 = arith.constant 3 : i32
      %dma_wait3A_310 = arith.constant 3 : i32
      %dma_wait3A_311 = arith.constant 0 : i32
      %dma_wait3A_312 = tpu.memref_slice %arg3[%dma_wait3A_310, %dma_wait3A_311] : memref<26x64xf32, #tpu.memory_space<hbm>> -> memref<1x64xf32, #tpu.memory_space<hbm>>
      %dma_wait3A_313 = tpu.memref_squeeze %dma_wait3A_312 : memref<1x64xf32, #tpu.memory_space<hbm>> -> memref<64xf32, #tpu.memory_space<hbm>>
      %dma_wait3A_314 = arith.constant 0 : i32
      %dma_wait3A_315 = tpu.memref_slice %arg1[%get3A_35, %dma_wait3A_309, %dma_wait3A_314] : memref<26x26x64xf32, #tpu.memory_space<hbm>> -> memref<1x1x64xf32, #tpu.memory_space<hbm>>
      %dma_wait3A_316 = tpu.memref_squeeze %dma_wait3A_315 : memref<1x1x64xf32, #tpu.memory_space<hbm>> -> memref<64xf32, #tpu.memory_space<hbm>>
      tpu.wait_dma2 semaphore(%arg5 : memref<!tpu.dma_semaphore, #tpu.memory_space<semaphore_mem>>) src(%dma_wait3A_316 : memref<64xf32, #tpu.memory_space<hbm>>) dst(%dma_wait3A_313 : memref<64xf32, #tpu.memory_space<hbm>>)
      %dma_wait3A_317 = arith.constant 4 : i32
      %dma_wait3A_318 = arith.constant 4 : i32
      %dma_wait3A_319 = arith.constant 0 : i32
      %dma_wait3A_320 = tpu.memref_slice %arg3[%dma_wait3A_318, %dma_wait3A_319] : memref<26x64xf32, #tpu.memory_space<hbm>> -> memref<1x64xf32, #tpu.memory_space<hbm>>
      %dma_wait3A_321 = tpu.memref_squeeze %dma_wait3A_320 : memref<1x64xf32, #tpu.memory_space<hbm>> -> memref<64xf32, #tpu.memory_space<hbm>>
      %dma_wait3A_322 = arith.constant 0 : i32
      %dma_wait3A_323 = tpu.memref_slice %arg1[%get3A_46, %dma_wait3A_317, %dma_wait3A_322] : memref<26x26x64xf32, #tpu.memory_space<hbm>> -> memref<1x1x64xf32, #tpu.memory_space<hbm>>
      %dma_wait3A_324 = tpu.memref_squeeze %dma_wait3A_323 : memref<1x1x64xf32, #tpu.memory_space<hbm>> -> memref<64xf32, #tpu.memory_space<hbm>>
      tpu.wait_dma2 semaphore(%arg5 : memref<!tpu.dma_semaphore, #tpu.memory_space<semaphore_mem>>) src(%dma_wait3A_324 : memref<64xf32, #tpu.memory_space<hbm>>) dst(%dma_wait3A_321 : memref<64xf32, #tpu.memory_space<hbm>>)
      %dma_wait3A_325 = arith.constant 5 : i32
      %dma_wait3A_326 = arith.constant 5 : i32
      %dma_wait3A_327 = arith.constant 0 : i32
      %dma_wait3A_328 = tpu.memref_slice %arg3[%dma_wait3A_326, %dma_wait3A_327] : memref<26x64xf32, #tpu.memory_space<hbm>> -> memref<1x64xf32, #tpu.memory_space<hbm>>
      %dma_wait3A_329 = tpu.memref_squeeze %dma_wait3A_328 : memref<1x64xf32, #tpu.memory_space<hbm>> -> memref<64xf32, #tpu.memory_space<hbm>>
      %dma_wait3A_330 = arith.constant 0 : i32
      %dma_wait3A_331 = tpu.memref_slice %arg1[%get3A_57, %dma_wait3A_325, %dma_wait3A_330] : memref<26x26x64xf32, #tpu.memory_space<hbm>> -> memref<1x1x64xf32, #tpu.memory_space<hbm>>
      %dma_wait3A_332 = tpu.memref_squeeze %dma_wait3A_331 : memref<1x1x64xf32, #tpu.memory_space<hbm>> -> memref<64xf32, #tpu.memory_space<hbm>>
      tpu.wait_dma2 semaphore(%arg5 : memref<!tpu.dma_semaphore, #tpu.memory_space<semaphore_mem>>) src(%dma_wait3A_332 : memref<64xf32, #tpu.memory_space<hbm>>) dst(%dma_wait3A_329 : memref<64xf32, #tpu.memory_space<hbm>>)
      %dma_wait3A_333 = arith.constant 6 : i32
      %dma_wait3A_334 = arith.constant 6 : i32
      %dma_wait3A_335 = arith.constant 0 : i32
      %dma_wait3A_336 = tpu.memref_slice %arg3[%dma_wait3A_334, %dma_wait3A_335] : memref<26x64xf32, #tpu.memory_space<hbm>> -> memref<1x64xf32, #tpu.memory_space<hbm>>
      %dma_wait3A_337 = tpu.memref_squeeze %dma_wait3A_336 : memref<1x64xf32, #tpu.memory_space<hbm>> -> memref<64xf32, #tpu.memory_space<hbm>>
      %dma_wait3A_338 = arith.constant 0 : i32
      %dma_wait3A_339 = tpu.memref_slice %arg1[%get3A_68, %dma_wait3A_333, %dma_wait3A_338] : memref<26x26x64xf32, #tpu.memory_space<hbm>> -> memref<1x1x64xf32, #tpu.memory_space<hbm>>
      %dma_wait3A_340 = tpu.memref_squeeze %dma_wait3A_339 : memref<1x1x64xf32, #tpu.memory_space<hbm>> -> memref<64xf32, #tpu.memory_space<hbm>>
      tpu.wait_dma2 semaphore(%arg5 : memref<!tpu.dma_semaphore, #tpu.memory_space<semaphore_mem>>) src(%dma_wait3A_340 : memref<64xf32, #tpu.memory_space<hbm>>) dst(%dma_wait3A_337 : memref<64xf32, #tpu.memory_space<hbm>>)
      %dma_wait3A_341 = arith.constant 7 : i32
      %dma_wait3A_342 = arith.constant 7 : i32
      %dma_wait3A_343 = arith.constant 0 : i32
      %dma_wait3A_344 = tpu.memref_slice %arg3[%dma_wait3A_342, %dma_wait3A_343] : memref<26x64xf32, #tpu.memory_space<hbm>> -> memref<1x64xf32, #tpu.memory_space<hbm>>
      %dma_wait3A_345 = tpu.memref_squeeze %dma_wait3A_344 : memref<1x64xf32, #tpu.memory_space<hbm>> -> memref<64xf32, #tpu.memory_space<hbm>>
      %dma_wait3A_346 = arith.constant 0 : i32
      %dma_wait3A_347 = tpu.memref_slice %arg1[%get3A_79, %dma_wait3A_341, %dma_wait3A_346] : memref<26x26x64xf32, #tpu.memory_space<hbm>> -> memref<1x1x64xf32, #tpu.memory_space<hbm>>
      %dma_wait3A_348 = tpu.memref_squeeze %dma_wait3A_347 : memref<1x1x64xf32, #tpu.memory_space<hbm>> -> memref<64xf32, #tpu.memory_space<hbm>>
      tpu.wait_dma2 semaphore(%arg5 : memref<!tpu.dma_semaphore, #tpu.memory_space<semaphore_mem>>) src(%dma_wait3A_348 : memref<64xf32, #tpu.memory_space<hbm>>) dst(%dma_wait3A_345 : memref<64xf32, #tpu.memory_space<hbm>>)
      %dma_wait3A_349 = arith.constant 8 : i32
      %dma_wait3A_350 = arith.constant 8 : i32
      %dma_wait3A_351 = arith.constant 0 : i32
      %dma_wait3A_352 = tpu.memref_slice %arg3[%dma_wait3A_350, %dma_wait3A_351] : memref<26x64xf32, #tpu.memory_space<hbm>> -> memref<1x64xf32, #tpu.memory_space<hbm>>
      %dma_wait3A_353 = tpu.memref_squeeze %dma_wait3A_352 : memref<1x64xf32, #tpu.memory_space<hbm>> -> memref<64xf32, #tpu.memory_space<hbm>>
      %dma_wait3A_354 = arith.constant 0 : i32
      %dma_wait3A_355 = tpu.memref_slice %arg1[%get3A_90, %dma_wait3A_349, %dma_wait3A_354] : memref<26x26x64xf32, #tpu.memory_space<hbm>> -> memref<1x1x64xf32, #tpu.memory_space<hbm>>
      %dma_wait3A_356 = tpu.memref_squeeze %dma_wait3A_355 : memref<1x1x64xf32, #tpu.memory_space<hbm>> -> memref<64xf32, #tpu.memory_space<hbm>>
      tpu.wait_dma2 semaphore(%arg5 : memref<!tpu.dma_semaphore, #tpu.memory_space<semaphore_mem>>) src(%dma_wait3A_356 : memref<64xf32, #tpu.memory_space<hbm>>) dst(%dma_wait3A_353 : memref<64xf32, #tpu.memory_space<hbm>>)
      %dma_wait3A_357 = arith.constant 9 : i32
      %dma_wait3A_358 = arith.constant 9 : i32
      %dma_wait3A_359 = arith.constant 0 : i32
      %dma_wait3A_360 = tpu.memref_slice %arg3[%dma_wait3A_358, %dma_wait3A_359] : memref<26x64xf32, #tpu.memory_space<hbm>> -> memref<1x64xf32, #tpu.memory_space<hbm>>
      %dma_wait3A_361 = tpu.memref_squeeze %dma_wait3A_360 : memref<1x64xf32, #tpu.memory_space<hbm>> -> memref<64xf32, #tpu.memory_space<hbm>>
      %dma_wait3A_362 = arith.constant 0 : i32
      %dma_wait3A_363 = tpu.memref_slice %arg1[%get3A_101, %dma_wait3A_357, %dma_wait3A_362] : memref<26x26x64xf32, #tpu.memory_space<hbm>> -> memref<1x1x64xf32, #tpu.memory_space<hbm>>
      %dma_wait3A_364 = tpu.memref_squeeze %dma_wait3A_363 : memref<1x1x64xf32, #tpu.memory_space<hbm>> -> memref<64xf32, #tpu.memory_space<hbm>>
      tpu.wait_dma2 semaphore(%arg5 : memref<!tpu.dma_semaphore, #tpu.memory_space<semaphore_mem>>) src(%dma_wait3A_364 : memref<64xf32, #tpu.memory_space<hbm>>) dst(%dma_wait3A_361 : memref<64xf32, #tpu.memory_space<hbm>>)
      %dma_wait3A_365 = arith.constant 10 : i32
      %dma_wait3A_366 = arith.constant 10 : i32
      %dma_wait3A_367 = arith.constant 0 : i32
      %dma_wait3A_368 = tpu.memref_slice %arg3[%dma_wait3A_366, %dma_wait3A_367] : memref<26x64xf32, #tpu.memory_space<hbm>> -> memref<1x64xf32, #tpu.memory_space<hbm>>
      %dma_wait3A_369 = tpu.memref_squeeze %dma_wait3A_368 : memref<1x64xf32, #tpu.memory_space<hbm>> -> memref<64xf32, #tpu.memory_space<hbm>>
      %dma_wait3A_370 = arith.constant 0 : i32
      %dma_wait3A_371 = tpu.memref_slice %arg1[%get3A_112, %dma_wait3A_365, %dma_wait3A_370] : memref<26x26x64xf32, #tpu.memory_space<hbm>> -> memref<1x1x64xf32, #tpu.memory_space<hbm>>
      %dma_wait3A_372 = tpu.memref_squeeze %dma_wait3A_371 : memref<1x1x64xf32, #tpu.memory_space<hbm>> -> memref<64xf32, #tpu.memory_space<hbm>>
      tpu.wait_dma2 semaphore(%arg5 : memref<!tpu.dma_semaphore, #tpu.memory_space<semaphore_mem>>) src(%dma_wait3A_372 : memref<64xf32, #tpu.memory_space<hbm>>) dst(%dma_wait3A_369 : memref<64xf32, #tpu.memory_space<hbm>>)
      %dma_wait3A_373 = arith.constant 11 : i32
      %dma_wait3A_374 = arith.constant 11 : i32
      %dma_wait3A_375 = arith.constant 0 : i32
      %dma_wait3A_376 = tpu.memref_slice %arg3[%dma_wait3A_374, %dma_wait3A_375] : memref<26x64xf32, #tpu.memory_space<hbm>> -> memref<1x64xf32, #tpu.memory_space<hbm>>
      %dma_wait3A_377 = tpu.memref_squeeze %dma_wait3A_376 : memref<1x64xf32, #tpu.memory_space<hbm>> -> memref<64xf32, #tpu.memory_space<hbm>>
      %dma_wait3A_378 = arith.constant 0 : i32
      %dma_wait3A_379 = tpu.memref_slice %arg1[%get3A_123, %dma_wait3A_373, %dma_wait3A_378] : memref<26x26x64xf32, #tpu.memory_space<hbm>> -> memref<1x1x64xf32, #tpu.memory_space<hbm>>
      %dma_wait3A_380 = tpu.memref_squeeze %dma_wait3A_379 : memref<1x1x64xf32, #tpu.memory_space<hbm>> -> memref<64xf32, #tpu.memory_space<hbm>>
      tpu.wait_dma2 semaphore(%arg5 : memref<!tpu.dma_semaphore, #tpu.memory_space<semaphore_mem>>) src(%dma_wait3A_380 : memref<64xf32, #tpu.memory_space<hbm>>) dst(%dma_wait3A_377 : memref<64xf32, #tpu.memory_space<hbm>>)
      %dma_wait3A_381 = arith.constant 12 : i32
      %dma_wait3A_382 = arith.constant 12 : i32
      %dma_wait3A_383 = arith.constant 0 : i32
      %dma_wait3A_384 = tpu.memref_slice %arg3[%dma_wait3A_382, %dma_wait3A_383] : memref<26x64xf32, #tpu.memory_space<hbm>> -> memref<1x64xf32, #tpu.memory_space<hbm>>
      %dma_wait3A_385 = tpu.memref_squeeze %dma_wait3A_384 : memref<1x64xf32, #tpu.memory_space<hbm>> -> memref<64xf32, #tpu.memory_space<hbm>>
      %dma_wait3A_386 = arith.constant 0 : i32
      %dma_wait3A_387 = tpu.memref_slice %arg1[%get3A_134, %dma_wait3A_381, %dma_wait3A_386] : memref<26x26x64xf32, #tpu.memory_space<hbm>> -> memref<1x1x64xf32, #tpu.memory_space<hbm>>
      %dma_wait3A_388 = tpu.memref_squeeze %dma_wait3A_387 : memref<1x1x64xf32, #tpu.memory_space<hbm>> -> memref<64xf32, #tpu.memory_space<hbm>>
      tpu.wait_dma2 semaphore(%arg5 : memref<!tpu.dma_semaphore, #tpu.memory_space<semaphore_mem>>) src(%dma_wait3A_388 : memref<64xf32, #tpu.memory_space<hbm>>) dst(%dma_wait3A_385 : memref<64xf32, #tpu.memory_space<hbm>>)
      %dma_wait3A_389 = arith.constant 13 : i32
      %dma_wait3A_390 = arith.constant 13 : i32
      %dma_wait3A_391 = arith.constant 0 : i32
      %dma_wait3A_392 = tpu.memref_slice %arg3[%dma_wait3A_390, %dma_wait3A_391] : memref<26x64xf32, #tpu.memory_space<hbm>> -> memref<1x64xf32, #tpu.memory_space<hbm>>
      %dma_wait3A_393 = tpu.memref_squeeze %dma_wait3A_392 : memref<1x64xf32, #tpu.memory_space<hbm>> -> memref<64xf32, #tpu.memory_space<hbm>>
      %dma_wait3A_394 = arith.constant 0 : i32
      %dma_wait3A_395 = tpu.memref_slice %arg1[%get3A_145, %dma_wait3A_389, %dma_wait3A_394] : memref<26x26x64xf32, #tpu.memory_space<hbm>> -> memref<1x1x64xf32, #tpu.memory_space<hbm>>
      %dma_wait3A_396 = tpu.memref_squeeze %dma_wait3A_395 : memref<1x1x64xf32, #tpu.memory_space<hbm>> -> memref<64xf32, #tpu.memory_space<hbm>>
      tpu.wait_dma2 semaphore(%arg5 : memref<!tpu.dma_semaphore, #tpu.memory_space<semaphore_mem>>) src(%dma_wait3A_396 : memref<64xf32, #tpu.memory_space<hbm>>) dst(%dma_wait3A_393 : memref<64xf32, #tpu.memory_space<hbm>>)
      %dma_wait3A_397 = arith.constant 14 : i32
      %dma_wait3A_398 = arith.constant 14 : i32
      %dma_wait3A_399 = arith.constant 0 : i32
      %dma_wait3A_400 = tpu.memref_slice %arg3[%dma_wait3A_398, %dma_wait3A_399] : memref<26x64xf32, #tpu.memory_space<hbm>> -> memref<1x64xf32, #tpu.memory_space<hbm>>
      %dma_wait3A_401 = tpu.memref_squeeze %dma_wait3A_400 : memref<1x64xf32, #tpu.memory_space<hbm>> -> memref<64xf32, #tpu.memory_space<hbm>>
      %dma_wait3A_402 = arith.constant 0 : i32
      %dma_wait3A_403 = tpu.memref_slice %arg1[%get3A_156, %dma_wait3A_397, %dma_wait3A_402] : memref<26x26x64xf32, #tpu.memory_space<hbm>> -> memref<1x1x64xf32, #tpu.memory_space<hbm>>
      %dma_wait3A_404 = tpu.memref_squeeze %dma_wait3A_403 : memref<1x1x64xf32, #tpu.memory_space<hbm>> -> memref<64xf32, #tpu.memory_space<hbm>>
      tpu.wait_dma2 semaphore(%arg5 : memref<!tpu.dma_semaphore, #tpu.memory_space<semaphore_mem>>) src(%dma_wait3A_404 : memref<64xf32, #tpu.memory_space<hbm>>) dst(%dma_wait3A_401 : memref<64xf32, #tpu.memory_space<hbm>>)
      %dma_wait3A_405 = arith.constant 15 : i32
      %dma_wait3A_406 = arith.constant 15 : i32
      %dma_wait3A_407 = arith.constant 0 : i32
      %dma_wait3A_408 = tpu.memref_slice %arg3[%dma_wait3A_406, %dma_wait3A_407] : memref<26x64xf32, #tpu.memory_space<hbm>> -> memref<1x64xf32, #tpu.memory_space<hbm>>
      %dma_wait3A_409 = tpu.memref_squeeze %dma_wait3A_408 : memref<1x64xf32, #tpu.memory_space<hbm>> -> memref<64xf32, #tpu.memory_space<hbm>>
      %dma_wait3A_410 = arith.constant 0 : i32
      %dma_wait3A_411 = tpu.memref_slice %arg1[%get3A_167, %dma_wait3A_405, %dma_wait3A_410] : memref<26x26x64xf32, #tpu.memory_space<hbm>> -> memref<1x1x64xf32, #tpu.memory_space<hbm>>
      %dma_wait3A_412 = tpu.memref_squeeze %dma_wait3A_411 : memref<1x1x64xf32, #tpu.memory_space<hbm>> -> memref<64xf32, #tpu.memory_space<hbm>>
      tpu.wait_dma2 semaphore(%arg5 : memref<!tpu.dma_semaphore, #tpu.memory_space<semaphore_mem>>) src(%dma_wait3A_412 : memref<64xf32, #tpu.memory_space<hbm>>) dst(%dma_wait3A_409 : memref<64xf32, #tpu.memory_space<hbm>>)
      %dma_wait3A_413 = arith.constant 16 : i32
      %dma_wait3A_414 = arith.constant 16 : i32
      %dma_wait3A_415 = arith.constant 0 : i32
      %dma_wait3A_416 = tpu.memref_slice %arg3[%dma_wait3A_414, %dma_wait3A_415] : memref<26x64xf32, #tpu.memory_space<hbm>> -> memref<1x64xf32, #tpu.memory_space<hbm>>
      %dma_wait3A_417 = tpu.memref_squeeze %dma_wait3A_416 : memref<1x64xf32, #tpu.memory_space<hbm>> -> memref<64xf32, #tpu.memory_space<hbm>>
      %dma_wait3A_418 = arith.constant 0 : i32
      %dma_wait3A_419 = tpu.memref_slice %arg1[%get3A_178, %dma_wait3A_413, %dma_wait3A_418] : memref<26x26x64xf32, #tpu.memory_space<hbm>> -> memref<1x1x64xf32, #tpu.memory_space<hbm>>
      %dma_wait3A_420 = tpu.memref_squeeze %dma_wait3A_419 : memref<1x1x64xf32, #tpu.memory_space<hbm>> -> memref<64xf32, #tpu.memory_space<hbm>>
      tpu.wait_dma2 semaphore(%arg5 : memref<!tpu.dma_semaphore, #tpu.memory_space<semaphore_mem>>) src(%dma_wait3A_420 : memref<64xf32, #tpu.memory_space<hbm>>) dst(%dma_wait3A_417 : memref<64xf32, #tpu.memory_space<hbm>>)
      %dma_wait3A_421 = arith.constant 17 : i32
      %dma_wait3A_422 = arith.constant 17 : i32
      %dma_wait3A_423 = arith.constant 0 : i32
      %dma_wait3A_424 = tpu.memref_slice %arg3[%dma_wait3A_422, %dma_wait3A_423] : memref<26x64xf32, #tpu.memory_space<hbm>> -> memref<1x64xf32, #tpu.memory_space<hbm>>
      %dma_wait3A_425 = tpu.memref_squeeze %dma_wait3A_424 : memref<1x64xf32, #tpu.memory_space<hbm>> -> memref<64xf32, #tpu.memory_space<hbm>>
      %dma_wait3A_426 = arith.constant 0 : i32
      %dma_wait3A_427 = tpu.memref_slice %arg1[%get3A_189, %dma_wait3A_421, %dma_wait3A_426] : memref<26x26x64xf32, #tpu.memory_space<hbm>> -> memref<1x1x64xf32, #tpu.memory_space<hbm>>
      %dma_wait3A_428 = tpu.memref_squeeze %dma_wait3A_427 : memref<1x1x64xf32, #tpu.memory_space<hbm>> -> memref<64xf32, #tpu.memory_space<hbm>>
      tpu.wait_dma2 semaphore(%arg5 : memref<!tpu.dma_semaphore, #tpu.memory_space<semaphore_mem>>) src(%dma_wait3A_428 : memref<64xf32, #tpu.memory_space<hbm>>) dst(%dma_wait3A_425 : memref<64xf32, #tpu.memory_space<hbm>>)
      %dma_wait3A_429 = arith.constant 18 : i32
      %dma_wait3A_430 = arith.constant 18 : i32
      %dma_wait3A_431 = arith.constant 0 : i32
      %dma_wait3A_432 = tpu.memref_slice %arg3[%dma_wait3A_430, %dma_wait3A_431] : memref<26x64xf32, #tpu.memory_space<hbm>> -> memref<1x64xf32, #tpu.memory_space<hbm>>
      %dma_wait3A_433 = tpu.memref_squeeze %dma_wait3A_432 : memref<1x64xf32, #tpu.memory_space<hbm>> -> memref<64xf32, #tpu.memory_space<hbm>>
      %dma_wait3A_434 = arith.constant 0 : i32
      %dma_wait3A_435 = tpu.memref_slice %arg1[%get3A_200, %dma_wait3A_429, %dma_wait3A_434] : memref<26x26x64xf32, #tpu.memory_space<hbm>> -> memref<1x1x64xf32, #tpu.memory_space<hbm>>
      %dma_wait3A_436 = tpu.memref_squeeze %dma_wait3A_435 : memref<1x1x64xf32, #tpu.memory_space<hbm>> -> memref<64xf32, #tpu.memory_space<hbm>>
      tpu.wait_dma2 semaphore(%arg5 : memref<!tpu.dma_semaphore, #tpu.memory_space<semaphore_mem>>) src(%dma_wait3A_436 : memref<64xf32, #tpu.memory_space<hbm>>) dst(%dma_wait3A_433 : memref<64xf32, #tpu.memory_space<hbm>>)
      %dma_wait3A_437 = arith.constant 19 : i32
      %dma_wait3A_438 = arith.constant 19 : i32
      %dma_wait3A_439 = arith.constant 0 : i32
      %dma_wait3A_440 = tpu.memref_slice %arg3[%dma_wait3A_438, %dma_wait3A_439] : memref<26x64xf32, #tpu.memory_space<hbm>> -> memref<1x64xf32, #tpu.memory_space<hbm>>
      %dma_wait3A_441 = tpu.memref_squeeze %dma_wait3A_440 : memref<1x64xf32, #tpu.memory_space<hbm>> -> memref<64xf32, #tpu.memory_space<hbm>>
      %dma_wait3A_442 = arith.constant 0 : i32
      %dma_wait3A_443 = tpu.memref_slice %arg1[%get3A_211, %dma_wait3A_437, %dma_wait3A_442] : memref<26x26x64xf32, #tpu.memory_space<hbm>> -> memref<1x1x64xf32, #tpu.memory_space<hbm>>
      %dma_wait3A_444 = tpu.memref_squeeze %dma_wait3A_443 : memref<1x1x64xf32, #tpu.memory_space<hbm>> -> memref<64xf32, #tpu.memory_space<hbm>>
      tpu.wait_dma2 semaphore(%arg5 : memref<!tpu.dma_semaphore, #tpu.memory_space<semaphore_mem>>) src(%dma_wait3A_444 : memref<64xf32, #tpu.memory_space<hbm>>) dst(%dma_wait3A_441 : memref<64xf32, #tpu.memory_space<hbm>>)
      %dma_wait3A_445 = arith.constant 20 : i32
      %dma_wait3A_446 = arith.constant 20 : i32
      %dma_wait3A_447 = arith.constant 0 : i32
      %dma_wait3A_448 = tpu.memref_slice %arg3[%dma_wait3A_446, %dma_wait3A_447] : memref<26x64xf32, #tpu.memory_space<hbm>> -> memref<1x64xf32, #tpu.memory_space<hbm>>
      %dma_wait3A_449 = tpu.memref_squeeze %dma_wait3A_448 : memref<1x64xf32, #tpu.memory_space<hbm>> -> memref<64xf32, #tpu.memory_space<hbm>>
      %dma_wait3A_450 = arith.constant 0 : i32
      %dma_wait3A_451 = tpu.memref_slice %arg1[%get3A_222, %dma_wait3A_445, %dma_wait3A_450] : memref<26x26x64xf32, #tpu.memory_space<hbm>> -> memref<1x1x64xf32, #tpu.memory_space<hbm>>
      %dma_wait3A_452 = tpu.memref_squeeze %dma_wait3A_451 : memref<1x1x64xf32, #tpu.memory_space<hbm>> -> memref<64xf32, #tpu.memory_space<hbm>>
      tpu.wait_dma2 semaphore(%arg5 : memref<!tpu.dma_semaphore, #tpu.memory_space<semaphore_mem>>) src(%dma_wait3A_452 : memref<64xf32, #tpu.memory_space<hbm>>) dst(%dma_wait3A_449 : memref<64xf32, #tpu.memory_space<hbm>>)
      %dma_wait3A_453 = arith.constant 21 : i32
      %dma_wait3A_454 = arith.constant 21 : i32
      %dma_wait3A_455 = arith.constant 0 : i32
      %dma_wait3A_456 = tpu.memref_slice %arg3[%dma_wait3A_454, %dma_wait3A_455] : memref<26x64xf32, #tpu.memory_space<hbm>> -> memref<1x64xf32, #tpu.memory_space<hbm>>
      %dma_wait3A_457 = tpu.memref_squeeze %dma_wait3A_456 : memref<1x64xf32, #tpu.memory_space<hbm>> -> memref<64xf32, #tpu.memory_space<hbm>>
      %dma_wait3A_458 = arith.constant 0 : i32
      %dma_wait3A_459 = tpu.memref_slice %arg1[%get3A_233, %dma_wait3A_453, %dma_wait3A_458] : memref<26x26x64xf32, #tpu.memory_space<hbm>> -> memref<1x1x64xf32, #tpu.memory_space<hbm>>
      %dma_wait3A_460 = tpu.memref_squeeze %dma_wait3A_459 : memref<1x1x64xf32, #tpu.memory_space<hbm>> -> memref<64xf32, #tpu.memory_space<hbm>>
      tpu.wait_dma2 semaphore(%arg5 : memref<!tpu.dma_semaphore, #tpu.memory_space<semaphore_mem>>) src(%dma_wait3A_460 : memref<64xf32, #tpu.memory_space<hbm>>) dst(%dma_wait3A_457 : memref<64xf32, #tpu.memory_space<hbm>>)
      %dma_wait3A_461 = arith.constant 22 : i32
      %dma_wait3A_462 = arith.constant 22 : i32
      %dma_wait3A_463 = arith.constant 0 : i32
      %dma_wait3A_464 = tpu.memref_slice %arg3[%dma_wait3A_462, %dma_wait3A_463] : memref<26x64xf32, #tpu.memory_space<hbm>> -> memref<1x64xf32, #tpu.memory_space<hbm>>
      %dma_wait3A_465 = tpu.memref_squeeze %dma_wait3A_464 : memref<1x64xf32, #tpu.memory_space<hbm>> -> memref<64xf32, #tpu.memory_space<hbm>>
      %dma_wait3A_466 = arith.constant 0 : i32
      %dma_wait3A_467 = tpu.memref_slice %arg1[%get3A_244, %dma_wait3A_461, %dma_wait3A_466] : memref<26x26x64xf32, #tpu.memory_space<hbm>> -> memref<1x1x64xf32, #tpu.memory_space<hbm>>
      %dma_wait3A_468 = tpu.memref_squeeze %dma_wait3A_467 : memref<1x1x64xf32, #tpu.memory_space<hbm>> -> memref<64xf32, #tpu.memory_space<hbm>>
      tpu.wait_dma2 semaphore(%arg5 : memref<!tpu.dma_semaphore, #tpu.memory_space<semaphore_mem>>) src(%dma_wait3A_468 : memref<64xf32, #tpu.memory_space<hbm>>) dst(%dma_wait3A_465 : memref<64xf32, #tpu.memory_space<hbm>>)
      %dma_wait3A_469 = arith.constant 23 : i32
      %dma_wait3A_470 = arith.constant 23 : i32
      %dma_wait3A_471 = arith.constant 0 : i32
      %dma_wait3A_472 = tpu.memref_slice %arg3[%dma_wait3A_470, %dma_wait3A_471] : memref<26x64xf32, #tpu.memory_space<hbm>> -> memref<1x64xf32, #tpu.memory_space<hbm>>
      %dma_wait3A_473 = tpu.memref_squeeze %dma_wait3A_472 : memref<1x64xf32, #tpu.memory_space<hbm>> -> memref<64xf32, #tpu.memory_space<hbm>>
      %dma_wait3A_474 = arith.constant 0 : i32
      %dma_wait3A_475 = tpu.memref_slice %arg1[%get3A_255, %dma_wait3A_469, %dma_wait3A_474] : memref<26x26x64xf32, #tpu.memory_space<hbm>> -> memref<1x1x64xf32, #tpu.memory_space<hbm>>
      %dma_wait3A_476 = tpu.memref_squeeze %dma_wait3A_475 : memref<1x1x64xf32, #tpu.memory_space<hbm>> -> memref<64xf32, #tpu.memory_space<hbm>>
      tpu.wait_dma2 semaphore(%arg5 : memref<!tpu.dma_semaphore, #tpu.memory_space<semaphore_mem>>) src(%dma_wait3A_476 : memref<64xf32, #tpu.memory_space<hbm>>) dst(%dma_wait3A_473 : memref<64xf32, #tpu.memory_space<hbm>>)
      %dma_wait3A_477 = arith.constant 24 : i32
      %dma_wait3A_478 = arith.constant 24 : i32
      %dma_wait3A_479 = arith.constant 0 : i32
      %dma_wait3A_480 = tpu.memref_slice %arg3[%dma_wait3A_478, %dma_wait3A_479] : memref<26x64xf32, #tpu.memory_space<hbm>> -> memref<1x64xf32, #tpu.memory_space<hbm>>
      %dma_wait3A_481 = tpu.memref_squeeze %dma_wait3A_480 : memref<1x64xf32, #tpu.memory_space<hbm>> -> memref<64xf32, #tpu.memory_space<hbm>>
      %dma_wait3A_482 = arith.constant 0 : i32
      %dma_wait3A_483 = tpu.memref_slice %arg1[%get3A_266, %dma_wait3A_477, %dma_wait3A_482] : memref<26x26x64xf32, #tpu.memory_space<hbm>> -> memref<1x1x64xf32, #tpu.memory_space<hbm>>
      %dma_wait3A_484 = tpu.memref_squeeze %dma_wait3A_483 : memref<1x1x64xf32, #tpu.memory_space<hbm>> -> memref<64xf32, #tpu.memory_space<hbm>>
      tpu.wait_dma2 semaphore(%arg5 : memref<!tpu.dma_semaphore, #tpu.memory_space<semaphore_mem>>) src(%dma_wait3A_484 : memref<64xf32, #tpu.memory_space<hbm>>) dst(%dma_wait3A_481 : memref<64xf32, #tpu.memory_space<hbm>>)
      %dma_wait3A_485 = arith.constant 25 : i32
      %dma_wait3A_486 = arith.constant 25 : i32
      %dma_wait3A_487 = arith.constant 0 : i32
      %dma_wait3A_488 = tpu.memref_slice %arg3[%dma_wait3A_486, %dma_wait3A_487] : memref<26x64xf32, #tpu.memory_space<hbm>> -> memref<1x64xf32, #tpu.memory_space<hbm>>
      %dma_wait3A_489 = tpu.memref_squeeze %dma_wait3A_488 : memref<1x64xf32, #tpu.memory_space<hbm>> -> memref<64xf32, #tpu.memory_space<hbm>>
      %dma_wait3A_490 = arith.constant 0 : i32
      %dma_wait3A_491 = tpu.memref_slice %arg1[%get3A_277, %dma_wait3A_485, %dma_wait3A_490] : memref<26x26x64xf32, #tpu.memory_space<hbm>> -> memref<1x1x64xf32, #tpu.memory_space<hbm>>
      %dma_wait3A_492 = tpu.memref_squeeze %dma_wait3A_491 : memref<1x1x64xf32, #tpu.memory_space<hbm>> -> memref<64xf32, #tpu.memory_space<hbm>>
      tpu.wait_dma2 semaphore(%arg5 : memref<!tpu.dma_semaphore, #tpu.memory_space<semaphore_mem>>) src(%dma_wait3A_492 : memref<64xf32, #tpu.memory_space<hbm>>) dst(%dma_wait3A_489 : memref<64xf32, #tpu.memory_space<hbm>>)
    } else {
    }
    return
  }
}

module attributes {stable_mosaic.version = 14 : i64} {
  func.func @_tc_body(%arg0: i32, %arg1: memref<26x8192xf32, #tpu.memory_space<vmem>>, %arg2: memref<26x64xf32, #tpu.memory_space<vmem>>, %arg3: memref<26x1xf32, #tpu.memory_space<vmem>>, %arg4: memref<1x1xf32, #tpu.memory_space<vmem>>, %arg5: memref<1x1x8192xf32, #tpu.memory_space<vmem>>) attributes {dimension_semantics = [#tpu.dimension_semantics<arbitrary>], iteration_bounds = array<i64: 2>, scalar_prefetch = 0 : i64, scratch_operands = 0 : i64, tpu.core_type = #tpu.core_type<tc>, window_params = [{transform_indices = @transform_0, window_bounds = array<i64: 26, 8192>}, {pipeline_mode = #tpu.pipeline_mode<synchronous>, transform_indices = @transform_1, window_bounds = array<i64: 26, 64>}, {pipeline_mode = #tpu.pipeline_mode<synchronous>, transform_indices = @transform_2, window_bounds = array<i64: 26, 1>}, {pipeline_mode = #tpu.pipeline_mode<synchronous>, transform_indices = @transform_3, window_bounds = array<i64: 1, 1>}, {transform_indices = @transform_4, window_bounds = array<i64: 1, 1, 8192>}]} {
    %get3A = arith.constant 0 : index
    %get3A_0 = arith.constant 0 : index
    %get3A_1 = vector.load %arg1[%get3A, %get3A_0] : memref<26x8192xf32, #tpu.memory_space<vmem>>, vector<26x8192xf32>
    %get3A_2 = arith.constant 0 : index
    %get3A_3 = arith.constant 0 : index
    %get3A_4 = vector.load %arg2[%get3A_2, %get3A_3] : memref<26x64xf32, #tpu.memory_space<vmem>>, vector<26x64xf32>
    %dot_general3A = arith.constant dense<0.000000e+00> : vector<26x26xf32>
    %dot_general3A_5 = tpu.matmul %get3A_4, %get3A_4, %dot_general3A {dimension_numbers = #tpu.dot_dimension_numbers<[1], [1], [0], [0], [0, 0, 1, 0], [], []>, transpose_lhs_hint = false} : vector<26x64xf32>, vector<26x64xf32>, vector<26x26xf32> -> vector<26x26xf32>
    %iota3A = tpu.iota {dimensions = array<i32: 0>} : vector<26x26xi32>
    %iota3A_6 = tpu.iota {dimensions = array<i32: 1>} : vector<26x26xi32>
    %gt3A = arith.cmpi sgt, %iota3A_6, %iota3A : vector<26x26xi32>
    %jit3A = arith.constant 0.000000e+00 : f32
    %broadcast_in_dim3A = vector.broadcast %jit3A : f32 to vector<26x26xf32>
    %select_n3A = arith.select %gt3A, %dot_general3A_5, %broadcast_in_dim3A : vector<26x26xi1>, vector<26x26xf32>
    %dot_general3A_7 = arith.constant dense<0.000000e+00> : vector<26x8192xf32>
    %dot_general3A_8 = tpu.matmul %select_n3A, %get3A_1, %dot_general3A_7 {dimension_numbers = #tpu.dot_dimension_numbers<[1], [0], [0], [1], [0, 0, 1, 1], [], []>, transpose_lhs_hint = false} : vector<26x26xf32>, vector<26x8192xf32>, vector<26x8192xf32> -> vector<26x8192xf32>
    %get3A_9 = arith.constant 0 : index
    %get3A_10 = arith.constant 0 : index
    %get3A_11 = vector.load %arg3[%get3A_9, %get3A_10] : memref<26x1xf32, #tpu.memory_space<vmem>>, vector<26x1xf32>
    %add3A = vector.broadcast %get3A_11 : vector<26x1xf32> to vector<26x8192xf32>
    %add3A_12 = arith.addf %dot_general3A_8, %add3A : vector<26x8192xf32>
    %mul3A = arith.mulf %add3A_12, %get3A_1 : vector<26x8192xf32>
    %reduce_sum3A = arith.constant dense<0.000000e+00> : vector<8192xf32>
    %reduce_sum3A_13 = vector.multi_reduction <add>, %mul3A, %reduce_sum3A [0] : vector<26x8192xf32> to vector<8192xf32>
    %broadcast_in_dim3A_14 = vector.shape_cast %reduce_sum3A_13 : vector<8192xf32> to vector<1x8192xf32>
    %get3A_15 = arith.constant 0 : index
    %get3A_16 = arith.constant 0 : index
    %get3A_17 = vector.load %arg4[%get3A_15, %get3A_16] : memref<1x1xf32, #tpu.memory_space<vmem>>, vector<1x1xf32>
    %get3A_18 = vector.extract %get3A_17[0, 0] : f32 from vector<1x1xf32>
    %add3A_19 = vector.broadcast %get3A_18 : f32 to vector<1x8192xf32>
    %add3A_20 = arith.addf %broadcast_in_dim3A_14, %add3A_19 : vector<1x8192xf32>
    %neg3A = arith.constant 0.000000e+00 : f32
    %neg3A_21 = vector.broadcast %neg3A : f32 to vector<1x8192xf32>
    %neg3A_22 = arith.subf %neg3A_21, %add3A_20 : vector<1x8192xf32>
    %exp3A = math.exp %neg3A_22 : vector<1x8192xf32>
    %add3A_23 = arith.constant 1.000000e+00 : f32
    %add3A_24 = vector.broadcast %add3A_23 : f32 to vector<1x8192xf32>
    %add3A_25 = arith.addf %add3A_24, %exp3A : vector<1x8192xf32>
    %div3A = arith.constant 1.000000e+00 : f32
    %div3A_26 = vector.broadcast %div3A : f32 to vector<1x8192xf32>
    %div3A_27 = arith.divf %div3A_26, %add3A_25 : vector<1x8192xf32>
    %broadcast_in_dim3A_28 = vector.shape_cast %div3A_27 : vector<1x8192xf32> to vector<1x1x8192xf32>
    %swap3A = arith.constant 0 : index
    %swap3A_29 = arith.constant 0 : index
    %swap3A_30 = arith.constant 0 : index
    %swap3A_31 = vector.load %arg5[%swap3A, %swap3A_29, %swap3A_30] : memref<1x1x8192xf32, #tpu.memory_space<vmem>>, vector<1x1x8192xf32>
    tpu.vector_store %arg5[%swap3A, %swap3A_29, %swap3A_30], %broadcast_in_dim3A_28 {strides = array<i32>} : memref<1x1x8192xf32, #tpu.memory_space<vmem>>, vector<1x1x8192xf32>,
    return
  }
  func.func @transform_0(%arg0: i32) -> (i32, i32) {
    %c0_i32 = arith.constant 0 : i32
    %c0_i32_0 = arith.constant 0 : i32
    return %c0_i32, %arg0 : i32, i32
  }
  func.func @transform_1(%arg0: i32) -> (i32, i32) {
    %c0_i32 = arith.constant 0 : i32
    %c0_i32_0 = arith.constant 0 : i32
    %c0_i32_1 = arith.constant 0 : i32
    return %c0_i32, %c0_i32_0 : i32, i32
  }
  func.func @transform_2(%arg0: i32) -> (i32, i32) {
    %c0_i32 = arith.constant 0 : i32
    %c0_i32_0 = arith.constant 0 : i32
    %c0_i32_1 = arith.constant 0 : i32
    return %c0_i32, %c0_i32_0 : i32, i32
  }
  func.func @transform_3(%arg0: i32) -> (i32, i32) {
    %c0_i32 = arith.constant 0 : i32
    %c0_i32_0 = arith.constant 0 : i32
    %c0_i32_1 = arith.constant 0 : i32
    return %c0_i32, %c0_i32_0 : i32, i32
  }
  func.func @transform_4(%arg0: i32) -> (i32, i32, i32) {
    %c0_i32 = arith.constant 0 : i32
    %c0_i32_0 = arith.constant 0 : i32
    %c0_i32_1 = arith.constant 0 : i32
    return %arg0, %c0_i32, %c0_i32_0 : i32, i32, i32
  }
}

</mosaic_0001>

<sc_bundles>
// kernel: kernel.4.cloned.1.call-start
scs
__scs_entry_jumppad:
0x0: {  	(pc) =	sbr.rel $0x88, $3  }
0x1: {  	(tag) =	ssettag $0x0;
	lr =	simm.s32 $0x1  }
0x2: {  	[smem:$0x3F9C] =	sst lr;
	_ =	strace $0xD0000000  }
0x3: {  	_ = 	snop  }
0x4: {  	_ = 	snop  }
0x5: {  	_ = 	snop  }
0x6: {  	_ = 	snop  }
0x7: {  	_ = 	snop  }
__scs_overlays_trampoline_lowered:
0x8: {  	[smem:$0x3FAB] =	sst s0  }
0x9: {  	[smem:$0x3FAC] =	sst s1  }
0xa: {  	[smem:$0x3FAD] =	sst s2  }
0xb: {  	[smem:$0x3FAE] =	sst s3  }
0xc: {  	[smem:$0x3FAF] =	sst s4  }
0xd: {  	[smem:$0x3FB0] =	sst s5  }
0xe: {  	[smem:$0x3FB1] =	sst s6  }
0xf: {  	[smem:$0x3FB2] =	sst s7  }
0x10: {  	[smem:$0x3FB3] =	sst s8  }
0x11: {  	[smem:$0x3FB4] =	sst s9;
	s0 =	simm.s32 @!p0 $0x0  }
0x12: {  	s1 =	sld [smem:$0x3F9A];
	s0 =	simm.s32 @p0 $0x1  }
0x13: {  	[smem:$0x3FB5] =	sst s0;
	s0 =	simm.s32 @!p1 $0x0  }
0x14: {  	s2 =	sld [smem:$0x3F99];
	s0 =	simm.s32 @p1 $0x1  }
0x15: {  	[smem:$0x3FB6] =	sst s0;
	s0 =	simm.s32 @!p2 $0x0  }
0x16: {  	s3 =	sld [smem:$0x3FDB];
	s0 =	simm.s32 @p2 $0x1  }
0x17: {  	s4 =	simm.s32 $0x1BF5;
	[smem:$0x3FB8] =	sst s0  }
0x18: {  	s0 =	sld [smem:$0x3F9B];
	_ =	swait.ge [sflag:s4], $0x0  }
0x19: {  	s7 =	sld [smem:$0x3F9C]  }
0x1a: {  	s8 =	sadd.s32 $0xFFFFE003, lr  }
0x1b: {  	s9 =	sadd.s32 $0xFFFFFEF7, lr;
	s5 =	simm.s32 $0xFFFFFFFF;
	p2 =	slt.u32 s8, $0xFFFFF086  }
0x1c: {  	p1 =	slt.u32 s9, $0xF7A;
	s5 =	simm.s32 @!p2 $0x0  }
0x1d: {  	s5 =	simm.s32 @p1 $0x1;
	p0 =	seq.s32 s7, s2  }
0x1e: {  	s7 =	smul.u32 @!p0 $0xF7A, s2;
	p2 =	seq.s32 @!p0 s5, $0x0  }
0x1f: {  	s9 =	smul.u32 $0xF7A, s1;
	s8 =	simm.s32 @!p0 $0x1BF5;
	p2 =	por !p2, p0  }
0x20: {  	[sflag:s8] =	ssyncset.s32 @!p0 $0xFFFFF086;
	s6 =	sadd.s32 @!p0 s3, s7;
	s7 =	simm.s32 @!p0 $0x108  }
0x21: {  	s3 =	sadd.s32 s3, s9;
	s6 =	sadd.s32 @!p0 $0x88, s6;
	s7 =	simm.s32 @p2 $0x1082  }
0x22: {  	[simem:s7], [sflag:s8] =	dma.local @!p0 [hbm:s6], $0xF7A  }
0x23: {  	s9 =	sor.u32 $0xD0000000, s2;
	s6 =	simm.s32 $0x108;
	_ =	swait.ge @!p0 [sflag:s8], $0x0  }
0x24: {  	s3 =	sadd.s32 $0x88, s3;
	s6 =	simm.s32 @!p1 $0x1082;
	[sflag:s4] =	ssyncset.s32 $0xFFFFF086  }
0x25: {  	[simem:s6], [sflag:s4] =	dma.local [hbm:s3], $0xF7A  }
0x26: {  	[smem:$0x3F9C] =	sst s1;
	(tag) =	ssettag s2;
	_ =	strace s9  }
0x27: {  	s1 =	sld [smem:$0x3FAC]  }
0x28: {  	s2 =	sld [smem:$0x3FAD]  }
0x29: {  	s4 =	sld [smem:$0x3FAF]  }
0x2a: {  	p0 =	seq.s32 s5, $0x0;
	s5 =	sld [smem:$0x3FB0]  }
0x2b: {  	s6 =	sld [smem:$0x3FB1]  }
0x2c: {  	s7 =	sld [smem:$0x3FB2]  }
0x2d: {  	s3 =	simm.s32 $0x108;
	s8 =	sld [smem:$0x3FB3]  }
0x2e: {  	s3 =	simm.s32 @!p0 $0x1082;
	s9 =	sld [smem:$0x3FB4]  }
0x2f: {  	lr =	sadd.s32 s0, s3;
	s0 =	sld [smem:$0x3FAB]  }
0x30: {  	s3 =	sld [smem:$0x3FAE]  }
0x31: {  	[smem:$0x3FB7] =	sst s10  }
0x32: {  	s10 =	sld [smem:$0x3FB5];
	_ =	sdelay $0x3  }
0x33: {  	p0 =	seq.s32 s10, $0x1;
	s10 =	sld [smem:$0x3FB7];
	_ =	sdelay $0x3  }
0x34: {  	[smem:$0x3FB7] =	sst s10  }
0x35: {  	s10 =	sld [smem:$0x3FB6];
	_ =	sdelay $0x3  }
0x36: {  	p1 =	seq.s32 s10, $0x1;
	s10 =	sld [smem:$0x3FB7];
	_ =	sdelay $0x3  }
0x37: {  	[smem:$0x3FB7] =	sst s10  }
0x38: {  	s10 =	sld [smem:$0x3FB8]  }
0x39: {  	_ = 	snop;
	(pc) =	sbr.ind lr, $3  }
0x3a: {  	_ = 	snop  }
0x3b: {  	_ = 	snop  }
0x3c: {  	p2 =	seq.s32 s10, $0x1;
	s10 =	sld [smem:$0x3FB7]  }
0x3d: {  	_ =	shalt  }
0x3e: {  	_ =	shalt  }
0x3f: {  	_ =	shalt  }
0x40: {  	_ =	shalt  }
0x41: {  	_ =	shalt  }
0x42: {  	_ =	shalt  }
0x43: {  	_ =	shalt  }
0x44: {  	_ =	shalt  }
0x45: {  	_ =	shalt  }
0x46: {  	_ =	shalt  }
0x47: {  	_ =	shalt  }
0x48: {  	_ =	shalt  }
0x49: {  	_ =	shalt  }
0x4a: {  	_ =	shalt  }
0x4b: {  	_ =	shalt  }
0x4c: {  	_ =	shalt  }
0x4d: {  	_ =	shalt  }
0x4e: {  	_ =	shalt  }
0x4f: {  	_ =	shalt  }
0x50: {  	_ =	shalt  }
0x51: {  	_ =	shalt  }
0x52: {  	_ =	shalt  }
0x53: {  	_ =	shalt  }
0x54: {  	_ =	shalt  }
0x55: {  	_ =	shalt  }
0x56: {  	_ =	shalt  }
0x57: {  	_ =	shalt  }
0x58: {  	_ =	shalt  }
0x59: {  	_ =	shalt  }
0x5a: {  	_ =	shalt  }
0x5b: {  	_ =	shalt  }
0x5c: {  	_ =	shalt  }
0x5d: {  	_ =	shalt  }
0x5e: {  	_ =	shalt  }
0x5f: {  	_ =	shalt  }
0x60: {  	_ =	shalt  }
0x61: {  	_ =	shalt  }
0x62: {  	_ =	shalt  }
0x63: {  	_ =	shalt  }
0x64: {  	_ =	shalt  }
0x65: {  	_ =	shalt  }
0x66: {  	_ =	shalt  }
0x67: {  	_ =	shalt  }
0x68: {  	_ =	shalt  }
0x69: {  	_ =	shalt  }
0x6a: {  	_ =	shalt  }
0x6b: {  	_ =	shalt  }
0x6c: {  	_ =	shalt  }
0x6d: {  	_ =	shalt  }
0x6e: {  	_ =	shalt  }
0x6f: {  	_ =	shalt  }
0x70: {  	_ =	shalt  }
0x71: {  	_ =	shalt  }
0x72: {  	_ =	shalt  }
0x73: {  	_ =	shalt  }
0x74: {  	_ =	shalt  }
0x75: {  	_ =	shalt  }
0x76: {  	_ =	shalt  }
0x77: {  	_ =	shalt  }
0x78: {  	_ =	shalt  }
0x79: {  	_ =	shalt  }
0x7a: {  	_ =	shalt  }
0x7b: {  	_ =	shalt  }
0x7c: {  	_ =	shalt  }
0x7d: {  	_ =	shalt  }
0x7e: {  	_ =	shalt  }
0x7f: {  	_ =	shalt  }
0x80: {  	_ =	shalt  }
0x81: {  	_ =	shalt  }
0x82: {  	_ =	shalt  }
0x83: {  	_ =	shalt  }
0x84: {  	_ =	shalt  }
0x85: {  	_ =	shalt  }
0x86: {  	_ =	shalt  }
0x87: {  	_ =	shalt  }
.Lfunc_end0:
.L_simem_size_0:
called_computation_lowered:
.L_overlay_start_0:
0x88: {  	s0 =	sld [smem:$0x3FD9]  }
0x89: {  	s1 =	sld [smem:$0x3FFE];
	_ =	sdelay $0x3  }
0x8a: {  	s0 =	sadd.s32 s1, s0  }
0x8b: {  	s3 =	simm.s32 $0x0;
	[smem:$0x3FC3] =	sst s0  }
0x8c: {  	[smem:$0xF] =	sst s3  }
0x8d: {  	s0 =	sld [smem:$0x3FC8]  }
0x8e: {  	s1 =	sld [smem:$0x3FC5]  }
0x8f: {  	s2 =	sld [smem:$0x3FD0];
	(tm) =	ssettm $0x1  }
0x90: {  	s22 =	sld [smem:$0x3FFB];
	_ =	sdelay $0x3  }
0x91: {  	_ =	strace s22  }
0x92: {  	s3 =	sld [smem:$0x3FFC];
	_ =	sdelay $0x3  }
0x93: {  	_ =	strace s3  }
0x94: {  	s3 =	sld [smem:$0x3FFD];
	_ =	sdelay $0x3  }
0x95: {  	_ =	strace s3  }
0x96: {  	s23 =	simm.s32 $0x1B8B;
	_ =	strace $0x8FFFFFFF  }
0x97: {  	_ =	swait.ge [sflag:s23], $0x1  }
0x98: {  	[sflag:s23] =	ssyncset.done $0x0  }
0x99: {  	s24 =	simm.s32 $0x1B8E;
	[sflag:s23] =	ssyncadd.s32 $0xFFFFFFFF  }
0x9a: {  	[smem:$0x3FD2] =	sst s24  }
0x9b: {  	s25 =	simm.s32 $0xA;
	s4 =	simm.s32 $0x10;
	_ =	strace $0x80000046  }
0x9c: {  	[smem:s4], [sflag:s25] =	dma.local [hbm:s0], $0x10  }
0x9d: {  	_ =	swait.ge [sflag:s25], $0x10  }
0x9e: {  	[sflag:s25] =	ssyncset.done $0x0  }
0x9f: {  	[sflag:s25] =	ssyncadd.s32 $0xFFFFFFF0  }
0xa0: {  	s26 =	sld [smem:$0x10];
	_ =	sdelay $0x3  }
0xa1: {  	s0 =	sshll.u32 s26, $0x9  }
0xa2: {  	s0 =	sand.u32 $0x1FFFFE00, s0  }
0xa3: {  	s29 =	simm.s32 $0x9;
	s28 =	sadd.s32 s1, s0  }
0xa4: {  	[hbm:s2], [sflag:s29] =	dma.local [hbm:s28], $0x10  }
0xa5: {  	s3 =	sld [smem:$0x11];
	_ =	sdelay $0x3  }
0xa6: {  	s3 =	sshll.u32 s3, $0x9  }
0xa7: {  	s3 =	sand.u32 $0x1FFFFE00, s3  }
0xa8: {  	s3 =	sadd.s32 s3, s1  }
0xa9: {  	s30 =	sadd.s32 $0x10, s2;
	s3 =	sadd.s32 $0x10, s3  }
0xaa: {  	[hbm:s30], [sflag:s29] =	dma.local [hbm:s3], $0x10  }
0xab: {  	s3 =	sld [smem:$0x12];
	_ =	sdelay $0x3  }
0xac: {  	s3 =	sshll.u32 s3, $0x9  }
0xad: {  	s3 =	sand.u32 $0x1FFFFE00, s3  }
0xae: {  	s3 =	sadd.s32 s3, s1  }
0xaf: {  	s31 =	sadd.s32 $0x20, s2;
	s3 =	sadd.s32 $0x20, s3  }
0xb0: {  	[hbm:s31], [sflag:s29] =	dma.local [hbm:s3], $0x10  }
0xb1: {  	s3 =	sld [smem:$0x13];
	_ =	sdelay $0x3  }
0xb2: {  	s3 =	sshll.u32 s3, $0x9  }
0xb3: {  	s3 =	sand.u32 $0x1FFFFE00, s3  }
0xb4: {  	s3 =	sadd.s32 s3, s1  }
0xb5: {  	s5 =	sadd.s32 $0x30, s2;
	s3 =	sadd.s32 $0x30, s3  }
0xb6: {  	[hbm:s5], [sflag:s29] =	dma.local [hbm:s3], $0x10  }
0xb7: {  	s3 =	sld [smem:$0x14];
	_ =	sdelay $0x3  }
0xb8: {  	s3 =	sshll.u32 s3, $0x9  }
0xb9: {  	s3 =	sand.u32 $0x1FFFFE00, s3  }
0xba: {  	s3 =	sadd.s32 s3, s1  }
0xbb: {  	s6 =	sadd.s32 $0x40, s2;
	s3 =	sadd.s32 $0x40, s3  }
0xbc: {  	[hbm:s6], [sflag:s29] =	dma.local [hbm:s3], $0x10  }
0xbd: {  	s3 =	sld [smem:$0x15];
	_ =	sdelay $0x3  }
0xbe: {  	s3 =	sshll.u32 s3, $0x9  }
0xbf: {  	s3 =	sand.u32 $0x1FFFFE00, s3  }
0xc0: {  	s3 =	sadd.s32 s3, s1  }
0xc1: {  	s7 =	sadd.s32 $0x50, s2;
	s3 =	sadd.s32 $0x50, s3  }
0xc2: {  	[hbm:s7], [sflag:s29] =	dma.local [hbm:s3], $0x10  }
0xc3: {  	s3 =	sld [smem:$0x16];
	_ =	sdelay $0x3  }
0xc4: {  	s3 =	sshll.u32 s3, $0x9  }
0xc5: {  	s3 =	sand.u32 $0x1FFFFE00, s3  }
0xc6: {  	s3 =	sadd.s32 s3, s1  }
0xc7: {  	s8 =	sadd.s32 $0x60, s2;
	s3 =	sadd.s32 $0x60, s3  }
0xc8: {  	[hbm:s8], [sflag:s29] =	dma.local [hbm:s3], $0x10  }
0xc9: {  	s3 =	sld [smem:$0x17];
	_ =	sdelay $0x3  }
0xca: {  	s3 =	sshll.u32 s3, $0x9  }
0xcb: {  	s3 =	sand.u32 $0x1FFFFE00, s3  }
0xcc: {  	s3 =	sadd.s32 s3, s1  }
0xcd: {  	s9 =	sadd.s32 $0x70, s2;
	s3 =	sadd.s32 $0x70, s3  }
0xce: {  	[hbm:s9], [sflag:s29] =	dma.local [hbm:s3], $0x10  }
0xcf: {  	s3 =	sld [smem:$0x18];
	_ =	sdelay $0x3  }
0xd0: {  	s3 =	sshll.u32 s3, $0x9  }
0xd1: {  	s3 =	sand.u32 $0x1FFFFE00, s3  }
0xd2: {  	s3 =	sadd.s32 s3, s1  }
0xd3: {  	s10 =	sadd.s32 $0x80, s2;
	s3 =	sadd.s32 $0x80, s3  }
0xd4: {  	[hbm:s10], [sflag:s29] =	dma.local [hbm:s3], $0x10  }
0xd5: {  	s3 =	sld [smem:$0x19];
	_ =	sdelay $0x3  }
0xd6: {  	s3 =	sshll.u32 s3, $0x9  }
0xd7: {  	s3 =	sand.u32 $0x1FFFFE00, s3  }
0xd8: {  	s3 =	sadd.s32 s3, s1  }
0xd9: {  	s11 =	sadd.s32 $0x90, s2;
	s3 =	sadd.s32 $0x90, s3  }
0xda: {  	[hbm:s11], [sflag:s29] =	dma.local [hbm:s3], $0x10  }
0xdb: {  	s3 =	sld [smem:$0x1A];
	_ =	sdelay $0x3  }
0xdc: {  	s3 =	sshll.u32 s3, $0x9  }
0xdd: {  	s3 =	sand.u32 $0x1FFFFE00, s3  }
0xde: {  	s3 =	sadd.s32 s3, s1  }
0xdf: {  	s12 =	sadd.s32 $0xA0, s2;
	s3 =	sadd.s32 $0xA0, s3  }
0xe0: {  	[hbm:s12], [sflag:s29] =	dma.local [hbm:s3], $0x10  }
0xe1: {  	s3 =	sld [smem:$0x1B];
	_ =	sdelay $0x3  }
0xe2: {  	s3 =	sshll.u32 s3, $0x9  }
0xe3: {  	s3 =	sand.u32 $0x1FFFFE00, s3  }
0xe4: {  	s3 =	sadd.s32 s3, s1  }
0xe5: {  	s13 =	sadd.s32 $0xB0, s2;
	s3 =	sadd.s32 $0xB0, s3  }
0xe6: {  	[hbm:s13], [sflag:s29] =	dma.local [hbm:s3], $0x10  }
0xe7: {  	s3 =	sld [smem:$0x1C];
	_ =	sdelay $0x3  }
0xe8: {  	s3 =	sshll.u32 s3, $0x9  }
0xe9: {  	s3 =	sand.u32 $0x1FFFFE00, s3  }
0xea: {  	s3 =	sadd.s32 s3, s1  }
0xeb: {  	s14 =	sadd.s32 $0xC0, s2;
	s3 =	sadd.s32 $0xC0, s3  }
0xec: {  	[hbm:s14], [sflag:s29] =	dma.local [hbm:s3], $0x10  }
0xed: {  	s3 =	sld [smem:$0x1D];
	_ =	sdelay $0x3  }
0xee: {  	s3 =	sshll.u32 s3, $0x9  }
0xef: {  	s3 =	sand.u32 $0x1FFFFE00, s3  }
0xf0: {  	s3 =	sadd.s32 s3, s1  }
0xf1: {  	s15 =	sadd.s32 $0xD0, s2;
	s3 =	sadd.s32 $0xD0, s3  }
0xf2: {  	[hbm:s15], [sflag:s29] =	dma.local [hbm:s3], $0x10  }
0xf3: {  	s3 =	sld [smem:$0x1E];
	_ =	sdelay $0x3  }
0xf4: {  	s3 =	sshll.u32 s3, $0x9  }
0xf5: {  	s3 =	sand.u32 $0x1FFFFE00, s3  }
0xf6: {  	s3 =	sadd.s32 s3, s1  }
0xf7: {  	s16 =	sadd.s32 $0xE0, s2;
	s3 =	sadd.s32 $0xE0, s3  }
0xf8: {  	[hbm:s16], [sflag:s29] =	dma.local [hbm:s3], $0x10  }
0xf9: {  	s3 =	sld [smem:$0x1F];
	_ =	sdelay $0x3  }
0xfa: {  	s3 =	sshll.u32 s3, $0x9  }
0xfb: {  	s3 =	sand.u32 $0x1FFFFE00, s3  }
0xfc: {  	s3 =	sadd.s32 s3, s1  }
0xfd: {  	s17 =	sadd.s32 $0xF0, s2;
	s3 =	sadd.s32 $0xF0, s3  }
0xfe: {  	[hbm:s17], [sflag:s29] =	dma.local [hbm:s3], $0x10  }
0xff: {  	s3 =	sld [smem:$0x20];
	_ =	sdelay $0x3  }
0x100: {  	s3 =	sshll.u32 s3, $0x9  }
0x101: {  	s3 =	sand.u32 $0x1FFFFE00, s3  }
0x102: {  	s3 =	sadd.s32 s3, s1  }
0x103: {  	s18 =	sadd.s32 $0x100, s2;
	s3 =	sadd.s32 $0x100, s3  }
0x104: {  	[hbm:s18], [sflag:s29] =	dma.local [hbm:s3], $0x10  }
0x105: {  	s3 =	sld [smem:$0x21];
	_ =	sdelay $0x3  }
0x106: {  	s3 =	sshll.u32 s3, $0x9  }
0x107: {  	s3 =	sand.u32 $0x1FFFFE00, s3  }
0x108: {  	s3 =	sadd.s32 s3, s1  }
0x109: {  	s19 =	sadd.s32 $0x110, s2;
	s3 =	sadd.s32 $0x110, s3  }
0x10a: {  	[hbm:s19], [sflag:s29] =	dma.local [hbm:s3], $0x10  }
0x10b: {  	s3 =	sld [smem:$0x22];
	_ =	sdelay $0x3  }
0x10c: {  	s3 =	sshll.u32 s3, $0x9  }
0x10d: {  	s3 =	sand.u32 $0x1FFFFE00, s3  }
0x10e: {  	s3 =	sadd.s32 s3, s1  }
0x10f: {  	s20 =	sadd.s32 $0x120, s2;
	s3 =	sadd.s32 $0x120, s3  }
0x110: {  	[hbm:s20], [sflag:s29] =	dma.local [hbm:s3], $0x10  }
0x111: {  	s3 =	sld [smem:$0x23];
	_ =	sdelay $0x3  }
0x112: {  	s3 =	sshll.u32 s3, $0x9  }
0x113: {  	s3 =	sand.u32 $0x1FFFFE00, s3  }
0x114: {  	s3 =	sadd.s32 s3, s1  }
0x115: {  	s21 =	sadd.s32 $0x130, s2;
	s3 =	sadd.s32 $0x130, s3  }
0x116: {  	[hbm:s21], [sflag:s29] =	dma.local [hbm:s3], $0x10  }
0x117: {  	s3 =	sld [smem:$0x24];
	_ =	sdelay $0x3  }
0x118: {  	s3 =	sshll.u32 s3, $0x9  }
0x119: {  	s3 =	sand.u32 $0x1FFFFE00, s3  }
0x11a: {  	s3 =	sadd.s32 s3, s1  }
0x11b: {  	s22 =	sadd.s32 $0x140, s2;
	s3 =	sadd.s32 $0x140, s3  }
0x11c: {  	[hbm:s22], [sflag:s29] =	dma.local [hbm:s3], $0x10  }
0x11d: {  	s3 =	sld [smem:$0x25];
	_ =	sdelay $0x3  }
0x11e: {  	s3 =	sshll.u32 s3, $0x9  }
0x11f: {  	s3 =	sand.u32 $0x1FFFFE00, s3  }
0x120: {  	s3 =	sadd.s32 s3, s1  }
0x121: {  	s23 =	sadd.s32 $0x150, s2;
	s3 =	sadd.s32 $0x150, s3  }
0x122: {  	[hbm:s23], [sflag:s29] =	dma.local [hbm:s3], $0x10  }
0x123: {  	s3 =	sld [smem:$0x26];
	_ =	sdelay $0x3  }
0x124: {  	s3 =	sshll.u32 s3, $0x9  }
0x125: {  	s3 =	sand.u32 $0x1FFFFE00, s3  }
0x126: {  	s3 =	sadd.s32 s3, s1  }
0x127: {  	s24 =	sadd.s32 $0x160, s2;
	s3 =	sadd.s32 $0x160, s3  }
0x128: {  	[hbm:s24], [sflag:s29] =	dma.local [hbm:s3], $0x10  }
0x129: {  	s3 =	sld [smem:$0x27];
	_ =	sdelay $0x3  }
0x12a: {  	s3 =	sshll.u32 s3, $0x9  }
0x12b: {  	s3 =	sand.u32 $0x1FFFFE00, s3  }
0x12c: {  	s3 =	sadd.s32 s3, s1  }
0x12d: {  	s25 =	sadd.s32 $0x170, s2;
	s3 =	sadd.s32 $0x170, s3  }
0x12e: {  	[hbm:s25], [sflag:s29] =	dma.local [hbm:s3], $0x10  }
0x12f: {  	s3 =	sld [smem:$0x28];
	_ =	sdelay $0x3  }
0x130: {  	s3 =	sshll.u32 s3, $0x9  }
0x131: {  	s3 =	sand.u32 $0x1FFFFE00, s3  }
0x132: {  	s3 =	sadd.s32 s3, s1  }
0x133: {  	s26 =	sadd.s32 $0x180, s2;
	s3 =	sadd.s32 $0x180, s3  }
0x134: {  	[hbm:s26], [sflag:s29] =	dma.local [hbm:s3], $0x10  }
0x135: {  	s3 =	sld [smem:$0x29];
	_ =	sdelay $0x3  }
0x136: {  	s3 =	sshll.u32 s3, $0x9  }
0x137: {  	s3 =	sand.u32 $0x1FFFFE00, s3  }
0x138: {  	s1 =	sadd.s32 s3, s1  }
0x139: {  	s2 =	sadd.s32 $0x190, s2;
	s1 =	sadd.s32 $0x190, s1  }
0x13a: {  	[hbm:s2], [sflag:s29] =	dma.local [hbm:s1], $0x10  }
0x13b: {  	_ =	swait.ge [sflag:s29], $0x10  }
0x13c: {  	[sflag:s29] =	ssyncset.done $0x0  }
0x13d: {  	[sflag:s29] =	ssyncadd.s32 $0xFFFFFFF0;
	_ =	sdelay $0x2  }
0x13e: {  	_ =	swait.ge [sflag:s29], $0x10  }
0x13f: {  	[sflag:s29] =	ssyncset.done $0x0  }
0x140: {  	[sflag:s29] =	ssyncadd.s32 $0xFFFFFFF0;
	_ =	sdelay $0x2  }
0x141: {  	_ =	swait.ge [sflag:s29], $0x10  }
0x142: {  	[sflag:s29] =	ssyncset.done $0x0  }
0x143: {  	[sflag:s29] =	ssyncadd.s32 $0xFFFFFFF0;
	_ =	sdelay $0x2  }
0x144: {  	_ =	swait.ge [sflag:s29], $0x10  }
0x145: {  	[sflag:s29] =	ssyncset.done $0x0  }
0x146: {  	[sflag:s29] =	ssyncadd.s32 $0xFFFFFFF0;
	_ =	sdelay $0x2  }
0x147: {  	_ =	swait.ge [sflag:s29], $0x10  }
0x148: {  	[sflag:s29] =	ssyncset.done $0x0  }
0x149: {  	[sflag:s29] =	ssyncadd.s32 $0xFFFFFFF0;
	_ =	sdelay $0x2  }
0x14a: {  	_ =	swait.ge [sflag:s29], $0x10  }
0x14b: {  	[sflag:s29] =	ssyncset.done $0x0  }
0x14c: {  	[sflag:s29] =	ssyncadd.s32 $0xFFFFFFF0;
	_ =	sdelay $0x2  }
0x14d: {  	_ =	swait.ge [sflag:s29], $0x10  }
0x14e: {  	[sflag:s29] =	ssyncset.done $0x0  }
0x14f: {  	[sflag:s29] =	ssyncadd.s32 $0xFFFFFFF0;
	_ =	sdelay $0x2  }
0x150: {  	_ =	swait.ge [sflag:s29], $0x10  }
0x151: {  	[sflag:s29] =	ssyncset.done $0x0  }
0x152: {  	[sflag:s29] =	ssyncadd.s32 $0xFFFFFFF0;
	_ =	sdelay $0x2  }
0x153: {  	_ =	swait.ge [sflag:s29], $0x10  }
0x154: {  	[sflag:s29] =	ssyncset.done $0x0  }
0x155: {  	[sflag:s29] =	ssyncadd.s32 $0xFFFFFFF0;
	_ =	sdelay $0x2  }
0x156: {  	_ =	swait.ge [sflag:s29], $0x10  }
0x157: {  	[sflag:s29] =	ssyncset.done $0x0  }
0x158: {  	[sflag:s29] =	ssyncadd.s32 $0xFFFFFFF0;
	_ =	sdelay $0x2  }
0x159: {  	_ =	swait.ge [sflag:s29], $0x10  }
0x15a: {  	[sflag:s29] =	ssyncset.done $0x0  }
0x15b: {  	[sflag:s29] =	ssyncadd.s32 $0xFFFFFFF0;
	_ =	sdelay $0x2  }
0x15c: {  	_ =	swait.ge [sflag:s29], $0x10  }
0x15d: {  	[sflag:s29] =	ssyncset.done $0x0  }
0x15e: {  	[sflag:s29] =	ssyncadd.s32 $0xFFFFFFF0;
	_ =	sdelay $0x2  }
0x15f: {  	_ =	swait.ge [sflag:s29], $0x10  }
0x160: {  	[sflag:s29] =	ssyncset.done $0x0  }
0x161: {  	[sflag:s29] =	ssyncadd.s32 $0xFFFFFFF0;
	_ =	sdelay $0x2  }
0x162: {  	_ =	swait.ge [sflag:s29], $0x10  }
0x163: {  	[sflag:s29] =	ssyncset.done $0x0  }
0x164: {  	[sflag:s29] =	ssyncadd.s32 $0xFFFFFFF0;
	_ =	sdelay $0x2  }
0x165: {  	_ =	swait.ge [sflag:s29], $0x10  }
0x166: {  	[sflag:s29] =	ssyncset.done $0x0  }
0x167: {  	[sflag:s29] =	ssyncadd.s32 $0xFFFFFFF0;
	_ =	sdelay $0x2  }
0x168: {  	_ =	swait.ge [sflag:s29], $0x10  }
0x169: {  	[sflag:s29] =	ssyncset.done $0x0  }
0x16a: {  	[sflag:s29] =	ssyncadd.s32 $0xFFFFFFF0;
	_ =	sdelay $0x2  }
0x16b: {  	_ =	swait.ge [sflag:s29], $0x10  }
0x16c: {  	[sflag:s29] =	ssyncset.done $0x0  }
0x16d: {  	[sflag:s29] =	ssyncadd.s32 $0xFFFFFFF0;
	_ =	sdelay $0x2  }
0x16e: {  	_ =	swait.ge [sflag:s29], $0x10  }
0x16f: {  	[sflag:s29] =	ssyncset.done $0x0  }
0x170: {  	[sflag:s29] =	ssyncadd.s32 $0xFFFFFFF0;
	_ =	sdelay $0x2  }
0x171: {  	_ =	swait.ge [sflag:s29], $0x10  }
0x172: {  	[sflag:s29] =	ssyncset.done $0x0  }
0x173: {  	[sflag:s29] =	ssyncadd.s32 $0xFFFFFFF0;
	_ =	sdelay $0x2  }
0x174: {  	_ =	swait.ge [sflag:s29], $0x10  }
0x175: {  	[sflag:s29] =	ssyncset.done $0x0  }
0x176: {  	[sflag:s29] =	ssyncadd.s32 $0xFFFFFFF0;
	_ =	sdelay $0x2  }
0x177: {  	_ =	swait.ge [sflag:s29], $0x10  }
0x178: {  	[sflag:s29] =	ssyncset.done $0x0  }
0x179: {  	[sflag:s29] =	ssyncadd.s32 $0xFFFFFFF0;
	_ =	sdelay $0x2  }
0x17a: {  	_ =	swait.ge [sflag:s29], $0x10  }
0x17b: {  	[sflag:s29] =	ssyncset.done $0x0  }
0x17c: {  	[sflag:s29] =	ssyncadd.s32 $0xFFFFFFF0;
	_ =	sdelay $0x2  }
0x17d: {  	_ =	swait.ge [sflag:s29], $0x10  }
0x17e: {  	[sflag:s29] =	ssyncset.done $0x0  }
0x17f: {  	[sflag:s29] =	ssyncadd.s32 $0xFFFFFFF0;
	_ =	sdelay $0x2  }
0x180: {  	_ =	swait.ge [sflag:s29], $0x10  }
0x181: {  	[sflag:s29] =	ssyncset.done $0x0  }
0x182: {  	[sflag:s29] =	ssyncadd.s32 $0xFFFFFFF0;
	_ =	sdelay $0x2  }
0x183: {  	_ =	swait.ge [sflag:s29], $0x10  }
0x184: {  	[sflag:s29] =	ssyncset.done $0x0  }
0x185: {  	[sflag:s29] =	ssyncadd.s32 $0xFFFFFFF0;
	_ =	sdelay $0x2  }
0x186: {  	_ =	swait.ge [sflag:s29], $0x10  }
0x187: {  	[sflag:s29] =	ssyncset.done $0x0  }
0x188: {  	[sflag:s29] =	ssyncadd.s32 $0xFFFFFFF0  }
0x189: {  	_ =	strace $0x90000046  }
0x18a: {  	_ =	sfence  }
0x18b: {  	s28 =	sld [smem:$0x0];
	_ =	sdelay $0x1  }
0x18c: {  	s29 =	srdreg.scid  }
0x18d: {  	s30 =	sshll.u32 s29, $0xD;
	s31 =	sshrl.u32 s29, $0x2  }
0x18e: {  	s1 =	sand.u32 $0x1, s29;
	s2 =	sand.u32 $0x4000, s30;
	s0 =	sadd.s32 s31, s28  }
0x18f: {  	s1 =	sor.u32 s2, s1;
	s0 =	sshll.u32 s0, $0x11  }
0x190: {  	s0 =	sor.u32 s0, s1  }
0x191: {  	s0 =	sadd.s32 $0x8F2B, s0;
	(pc) =	sbr.abs _section_cstart, $3  }
0x192: {  	[sflag:s0] =	ssyncadd.remote.s32 $0x1  }
0x193: {  	_ =	strace $0x9FFFFFFF  }
0x194: {  	(tm) =	ssettm $0x7FFFFFFF  }
0x195: {  	_ =	shalt  }

</sc_bundles>
